<compile_context>
chip_gen: v7x
topology: tpu7x:2x2x1
jax: 0.10.2.dev20260603
libtpu: 0.0.44.dev20260713+nightly
codegen_flags: <defaults>
</compile_context>

<pallas_src>
import functools

import jax
import jax.numpy as jnp
from jax import lax
from jax.experimental import pallas as pl
from jax.experimental.pallas import tpu as pltpu
from jax.experimental.pallas import tpu_sc as plsc

G = 1024
N = 64
F = 9
H = 64
NP1 = N + 1
L = 16

NC = 2
NS = 16
NW = NC * NS
GPW = G // NW
BG = 16
NB = GPW // BG


@functools.partial(
    pl.kernel,
    mesh=plsc.VectorSubcoreMesh(core_axis_name="c", subcore_axis_name="s"),
    out_type=jax.ShapeDtypeStruct((G, NP1, H), jnp.float32),
    scratch_types=[
        pltpu.VMEM((F, N, BG), jnp.int32),
        pltpu.VMEM((N, BG), jnp.int32),
        pltpu.VMEM((BG, F, N), jnp.int32),
        pltpu.VMEM((BG, N), jnp.int32),
        pltpu.VMEM((BG, NP1, H), jnp.float32),
        pltpu.SemaphoreType.DMA,
        pltpu.SemaphoreType.DMA,
    ],
    compiler_params=pltpu.CompilerParams(use_tc_tiling_on_sc=False,
                                         needs_layout_passes=False,
                                         disable_bounds_checks=True),
)
def _atom_feature_sc(af_hbm, dg_hbm, wa_hbm, wd_hbm, wv_hbm, out_hbm,
                     araw_v, draw_v, atidx_v, didx_v, obuf_v, sem, sem2):
    wid = lax.axis_index("s") * NC + lax.axis_index("c")

    for k in range(BG):
        pltpu.async_copy(wv_hbm, obuf_v.at[k, pl.ds(0, 1)], sem2)
    for k in range(BG):
        pltpu.make_async_copy(wv_hbm, obuf_v.at[k, pl.ds(0, 1)], sem2).wait()

    lane = lax.iota(jnp.int32, L)

    def per_batch(b, carry):
        g0 = wid * GPW + b * BG
        pltpu.async_copy(af_hbm.at[:, :, pl.ds(g0, BG)], araw_v, sem2)
        pltpu.async_copy(dg_hbm.at[:, pl.ds(g0, BG)], draw_v, sem2)
        pltpu.make_async_copy(af_hbm.at[:, :, pl.ds(g0, BG)], araw_v, sem2).wait()
        pltpu.make_async_copy(dg_hbm.at[:, pl.ds(g0, BG)], draw_v, sem2).wait()

        def build_didx(k, c):
            kvec = jnp.full((L,), k, dtype=jnp.int32)
            for cchunk in range(N // L):
                nvec = lane + (cchunk * L)
                didx_v[k, pl.ds(cchunk * L, L)] = plsc.load_gather(
                    draw_v, [nvec, kvec])
            return c
        lax.fori_loop(0, BG, build_didx, 0)

        def issue_deg(k, c):
            pltpu.async_copy(wd_hbm.at[didx_v.at[k]],
                             obuf_v.at[k, pl.ds(1, N)], sem)
            return c
        lax.fori_loop(0, BG, issue_deg, 0)

        def build_atidx(k, c):
            kvec = jnp.full((L,), k, dtype=jnp.int32)
            for f in range(F):
                fvec = jnp.full((L,), f, dtype=jnp.int32)
                for cchunk in range(N // L):
                    nvec = lane + (cchunk * L)
                    atidx_v[k, f, pl.ds(cchunk * L, L)] = plsc.load_gather(
                        araw_v, [fvec, nvec, kvec])
            return c
        lax.fori_loop(0, BG, build_atidx, 0)

        def drain_deg(k, c):
            pltpu.make_async_copy(wd_hbm.at[didx_v.at[k]],
                                  obuf_v.at[k, pl.ds(1, N)], sem).wait()
            return c
        lax.fori_loop(0, BG, drain_deg, 0)

        def issue_atom(k, c):
            for f in range(F):
                pltpu.async_copy(wa_hbm.at[atidx_v.at[k, f]],
                                 obuf_v.at[k, pl.ds(1, N)], sem, add=True)
            return c
        lax.fori_loop(0, BG, issue_atom, 0)

        def drain_atom(k, c):
            for f in range(F):
                pltpu.make_async_copy(wa_hbm.at[atidx_v.at[k, f]],
                                      obuf_v.at[k, pl.ds(1, N)], sem).wait()
            return c
        lax.fori_loop(0, BG, drain_atom, 0)

        pltpu.sync_copy(obuf_v, out_hbm.at[pl.ds(g0, BG)])
        return carry

    lax.fori_loop(0, NB, per_batch, 0)


def kernel(atom_feat, degree, W_atom, W_degree, W_vnode):
    af_t = atom_feat.transpose(2, 1, 0)
    dg_t = degree.transpose(1, 0)
    return _atom_feature_sc(af_t, dg_t, W_atom, W_degree, W_vnode)

# --- scband reference (transcript-rebuilt; emitter-appended) ---
"""Pipeline reference for scband-atom-feature-53944789238391 (READ-ONLY COPY).

The authoritative reference and input builder live on the scoring server;
editing this copy changes nothing except your own understanding.
"""

import jax, jax.numpy as jnp
import numpy as np

NUM_ATOM = 100000
NUM_DEGREE = 512
HIDDEN = 64
N_GRAPH = 1024
N_NODE = 64
N_FEAT = 9


def setup_inputs(seed: int = 0) -> dict:
    key = jax.random.key(seed)
    k1, k2, k3, k4, k5 = jax.random.split(key, 5)
    atom_feat = jax.random.randint(k1, (N_GRAPH, N_NODE, N_FEAT), 0, NUM_ATOM, dtype=jnp.int32)
    degree = jax.random.randint(k2, (N_GRAPH, N_NODE), 0, NUM_DEGREE, dtype=jnp.int32)
    W_atom = jax.random.normal(k3, (NUM_ATOM, HIDDEN), dtype=jnp.float32) * 0.02
    W_atom = W_atom.at[0].set(0.0)  # padding_idx=0
    W_degree = jax.random.normal(k4, (NUM_DEGREE, HIDDEN), dtype=jnp.float32) * 0.02
    W_degree = W_degree.at[0].set(0.0)  # padding_idx=0
    W_vnode = jax.random.normal(k5, (1, HIDDEN), dtype=jnp.float32) * 0.02
    return {"atom_feat": atom_feat, "degree": degree, "W_atom": W_atom, "W_degree": W_degree, "W_vnode": W_vnode}


def reference(atom_feat, degree, W_atom, W_degree, W_vnode):
    # atom_encoder(x).sum(dim=-2)
    node_feature = jnp.take(W_atom, atom_feat, axis=0).sum(axis=-2)  # [G, N, H]
    # degree embedding
    degree_feature = jnp.take(W_degree, degree, axis=0)  # [G, N, H]
    node_feature = node_feature + degree_feature
    n_graph = atom_feat.shape[0]
    # vnode_encoder.weight.unsqueeze(0).repeat(n_graph, 1, 1)
    graph_token_feature = jnp.broadcast_to(W_vnode[None, :, :], (n_graph, 1, W_vnode.shape[1]))
    graph_node_feature = jnp.concatenate([graph_token_feature, node_feature], axis=1)  # [G, N+1, H]
    return graph_node_feature.astype(node_feature.dtype)

if __name__ == "__main__":
    import jax
    _d = setup_inputs()
    print(jax.jit(kernel)(*tuple(_d.values())))

</pallas_src>

<mosaic_0001>
#map = affine_map<(d0, d1) -> (0, 0, 0)>
#map1 = affine_map<(d0, d1) -> (0, 0)>
module attributes {stable_mosaic.version = 14 : i64} {
  func.func @_atom_feature_sc(%arg0: i32, %arg1: i32, %arg2: memref<9x64x1024xi32, #tpu.memory_space<hbm>>, %arg3: memref<64x1024xi32, #tpu.memory_space<hbm>>, %arg4: memref<100000x64xf32, #tpu.memory_space<hbm>>, %arg5: memref<512x64xf32, #tpu.memory_space<hbm>>, %arg6: memref<1x64xf32, #tpu.memory_space<hbm>>, %arg7: memref<1024x65x64xf32, #tpu.memory_space<hbm>>, %arg8: memref<9x64x16xi32, #tpu.memory_space<vmem>>, %arg9: memref<64x16xi32, #tpu.memory_space<vmem>>, %arg10: memref<16x9x64xi32, #tpu.memory_space<vmem>>, %arg11: memref<16x64xi32, #tpu.memory_space<vmem>>, %arg12: memref<16x65x64xf32, #tpu.memory_space<vmem>>, %arg13: memref<!tpu.dma_semaphore, #tpu.memory_space<semaphore_mem>>, %arg14: memref<!tpu.dma_semaphore, #tpu.memory_space<semaphore_mem>>) attributes {dimension_semantics = [#tpu.dimension_semantics<core_parallel>, #tpu.dimension_semantics<subcore_parallel>], iteration_bounds = array<i64: 2, 16>, scalar_prefetch = 0 : i64, scratch_operands = 7 : i64, tpu.core_type = #tpu.core_type<sc_vector_subcore>, window_params = [{transform_indices = #map}, {transform_indices = #map1}, {transform_indices = #map1}, {transform_indices = #map1}, {transform_indices = #map1}, {transform_indices = #map}]} {
    %mul3A = arith.constant 2 : i32
    %mul3A_0 = arith.muli %arg1, %mul3A : i32
    %add3A = arith.addi %mul3A_0, %arg0 : i32
    %dma_start3A = arith.constant 0 : i32
    %dma_start3A_1 = arith.constant 0 : i32
    %dma_start3A_2 = arith.constant 0 : i32
    %dma_start3A_3 = tpu.memref_slice %arg12[%dma_start3A, %dma_start3A_1, %dma_start3A_2] : memref<16x65x64xf32, #tpu.memory_space<vmem>> -> memref<1x1x64xf32, #tpu.memory_space<vmem>>
    %dma_start3A_4 = tpu.memref_squeeze %dma_start3A_3 : memref<1x1x64xf32, #tpu.memory_space<vmem>> -> memref<1x64xf32, #tpu.memory_space<vmem>>
    %dma_start3A_5 = arith.constant 0 : i32
    %dma_start3A_6 = arith.constant 0 : i32
    %dma_start3A_7 = tpu.memref_slice %arg12[%dma_start3A, %dma_start3A_5, %dma_start3A_6] : memref<16x65x64xf32, #tpu.memory_space<vmem>> -> memref<1x1x64xf32, #tpu.memory_space<vmem>>
    %dma_start3A_8 = tpu.memref_squeeze %dma_start3A_7 : memref<1x1x64xf32, #tpu.memory_space<vmem>> -> memref<1x64xf32, #tpu.memory_space<vmem>>
    tpu.enqueue_dma source(%arg6 : memref<1x64xf32, #tpu.memory_space<hbm>>) target(%dma_start3A_8 : memref<1x64xf32, #tpu.memory_space<vmem>>) target_semaphore(%arg14 : memref<!tpu.dma_semaphore, #tpu.memory_space<semaphore_mem>>)
    %dma_start3A_9 = arith.constant 1 : i32
    %dma_start3A_10 = arith.constant 0 : i32
    %dma_start3A_11 = arith.constant 0 : i32
    %dma_start3A_12 = tpu.memref_slice %arg12[%dma_start3A_9, %dma_start3A_10, %dma_start3A_11] : memref<16x65x64xf32, #tpu.memory_space<vmem>> -> memref<1x1x64xf32, #tpu.memory_space<vmem>>
    %dma_start3A_13 = tpu.memref_squeeze %dma_start3A_12 : memref<1x1x64xf32, #tpu.memory_space<vmem>> -> memref<1x64xf32, #tpu.memory_space<vmem>>
    %dma_start3A_14 = arith.constant 0 : i32
    %dma_start3A_15 = arith.constant 0 : i32
    %dma_start3A_16 = tpu.memref_slice %arg12[%dma_start3A_9, %dma_start3A_14, %dma_start3A_15] : memref<16x65x64xf32, #tpu.memory_space<vmem>> -> memref<1x1x64xf32, #tpu.memory_space<vmem>>
    %dma_start3A_17 = tpu.memref_squeeze %dma_start3A_16 : memref<1x1x64xf32, #tpu.memory_space<vmem>> -> memref<1x64xf32, #tpu.memory_space<vmem>>
    tpu.enqueue_dma source(%arg6 : memref<1x64xf32, #tpu.memory_space<hbm>>) target(%dma_start3A_17 : memref<1x64xf32, #tpu.memory_space<vmem>>) target_semaphore(%arg14 : memref<!tpu.dma_semaphore, #tpu.memory_space<semaphore_mem>>)
    %dma_start3A_18 = arith.constant 2 : i32
    %dma_start3A_19 = arith.constant 0 : i32
    %dma_start3A_20 = arith.constant 0 : i32
    %dma_start3A_21 = tpu.memref_slice %arg12[%dma_start3A_18, %dma_start3A_19, %dma_start3A_20] : memref<16x65x64xf32, #tpu.memory_space<vmem>> -> memref<1x1x64xf32, #tpu.memory_space<vmem>>
    %dma_start3A_22 = tpu.memref_squeeze %dma_start3A_21 : memref<1x1x64xf32, #tpu.memory_space<vmem>> -> memref<1x64xf32, #tpu.memory_space<vmem>>
    %dma_start3A_23 = arith.constant 0 : i32
    %dma_start3A_24 = arith.constant 0 : i32
    %dma_start3A_25 = tpu.memref_slice %arg12[%dma_start3A_18, %dma_start3A_23, %dma_start3A_24] : memref<16x65x64xf32, #tpu.memory_space<vmem>> -> memref<1x1x64xf32, #tpu.memory_space<vmem>>
    %dma_start3A_26 = tpu.memref_squeeze %dma_start3A_25 : memref<1x1x64xf32, #tpu.memory_space<vmem>> -> memref<1x64xf32, #tpu.memory_space<vmem>>
    tpu.enqueue_dma source(%arg6 : memref<1x64xf32, #tpu.memory_space<hbm>>) target(%dma_start3A_26 : memref<1x64xf32, #tpu.memory_space<vmem>>) target_semaphore(%arg14 : memref<!tpu.dma_semaphore, #tpu.memory_space<semaphore_mem>>)
    %dma_start3A_27 = arith.constant 3 : i32
    %dma_start3A_28 = arith.constant 0 : i32
    %dma_start3A_29 = arith.constant 0 : i32
    %dma_start3A_30 = tpu.memref_slice %arg12[%dma_start3A_27, %dma_start3A_28, %dma_start3A_29] : memref<16x65x64xf32, #tpu.memory_space<vmem>> -> memref<1x1x64xf32, #tpu.memory_space<vmem>>
    %dma_start3A_31 = tpu.memref_squeeze %dma_start3A_30 : memref<1x1x64xf32, #tpu.memory_space<vmem>> -> memref<1x64xf32, #tpu.memory_space<vmem>>
    %dma_start3A_32 = arith.constant 0 : i32
    %dma_start3A_33 = arith.constant 0 : i32
    %dma_start3A_34 = tpu.memref_slice %arg12[%dma_start3A_27, %dma_start3A_32, %dma_start3A_33] : memref<16x65x64xf32, #tpu.memory_space<vmem>> -> memref<1x1x64xf32, #tpu.memory_space<vmem>>
    %dma_start3A_35 = tpu.memref_squeeze %dma_start3A_34 : memref<1x1x64xf32, #tpu.memory_space<vmem>> -> memref<1x64xf32, #tpu.memory_space<vmem>>
    tpu.enqueue_dma source(%arg6 : memref<1x64xf32, #tpu.memory_space<hbm>>) target(%dma_start3A_35 : memref<1x64xf32, #tpu.memory_space<vmem>>) target_semaphore(%arg14 : memref<!tpu.dma_semaphore, #tpu.memory_space<semaphore_mem>>)
    %dma_start3A_36 = arith.constant 4 : i32
    %dma_start3A_37 = arith.constant 0 : i32
    %dma_start3A_38 = arith.constant 0 : i32
    %dma_start3A_39 = tpu.memref_slice %arg12[%dma_start3A_36, %dma_start3A_37, %dma_start3A_38] : memref<16x65x64xf32, #tpu.memory_space<vmem>> -> memref<1x1x64xf32, #tpu.memory_space<vmem>>
    %dma_start3A_40 = tpu.memref_squeeze %dma_start3A_39 : memref<1x1x64xf32, #tpu.memory_space<vmem>> -> memref<1x64xf32, #tpu.memory_space<vmem>>
    %dma_start3A_41 = arith.constant 0 : i32
    %dma_start3A_42 = arith.constant 0 : i32
    %dma_start3A_43 = tpu.memref_slice %arg12[%dma_start3A_36, %dma_start3A_41, %dma_start3A_42] : memref<16x65x64xf32, #tpu.memory_space<vmem>> -> memref<1x1x64xf32, #tpu.memory_space<vmem>>
    %dma_start3A_44 = tpu.memref_squeeze %dma_start3A_43 : memref<1x1x64xf32, #tpu.memory_space<vmem>> -> memref<1x64xf32, #tpu.memory_space<vmem>>
    tpu.enqueue_dma source(%arg6 : memref<1x64xf32, #tpu.memory_space<hbm>>) target(%dma_start3A_44 : memref<1x64xf32, #tpu.memory_space<vmem>>) target_semaphore(%arg14 : memref<!tpu.dma_semaphore, #tpu.memory_space<semaphore_mem>>)
    %dma_start3A_45 = arith.constant 5 : i32
    %dma_start3A_46 = arith.constant 0 : i32
    %dma_start3A_47 = arith.constant 0 : i32
    %dma_start3A_48 = tpu.memref_slice %arg12[%dma_start3A_45, %dma_start3A_46, %dma_start3A_47] : memref<16x65x64xf32, #tpu.memory_space<vmem>> -> memref<1x1x64xf32, #tpu.memory_space<vmem>>
    %dma_start3A_49 = tpu.memref_squeeze %dma_start3A_48 : memref<1x1x64xf32, #tpu.memory_space<vmem>> -> memref<1x64xf32, #tpu.memory_space<vmem>>
    %dma_start3A_50 = arith.constant 0 : i32
    %dma_start3A_51 = arith.constant 0 : i32
    %dma_start3A_52 = tpu.memref_slice %arg12[%dma_start3A_45, %dma_start3A_50, %dma_start3A_51] : memref<16x65x64xf32, #tpu.memory_space<vmem>> -> memref<1x1x64xf32, #tpu.memory_space<vmem>>
    %dma_start3A_53 = tpu.memref_squeeze %dma_start3A_52 : memref<1x1x64xf32, #tpu.memory_space<vmem>> -> memref<1x64xf32, #tpu.memory_space<vmem>>
    tpu.enqueue_dma source(%arg6 : memref<1x64xf32, #tpu.memory_space<hbm>>) target(%dma_start3A_53 : memref<1x64xf32, #tpu.memory_space<vmem>>) target_semaphore(%arg14 : memref<!tpu.dma_semaphore, #tpu.memory_space<semaphore_mem>>)
    %dma_start3A_54 = arith.constant 6 : i32
    %dma_start3A_55 = arith.constant 0 : i32
    %dma_start3A_56 = arith.constant 0 : i32
    %dma_start3A_57 = tpu.memref_slice %arg12[%dma_start3A_54, %dma_start3A_55, %dma_start3A_56] : memref<16x65x64xf32, #tpu.memory_space<vmem>> -> memref<1x1x64xf32, #tpu.memory_space<vmem>>
    %dma_start3A_58 = tpu.memref_squeeze %dma_start3A_57 : memref<1x1x64xf32, #tpu.memory_space<vmem>> -> memref<1x64xf32, #tpu.memory_space<vmem>>
    %dma_start3A_59 = arith.constant 0 : i32
    %dma_start3A_60 = arith.constant 0 : i32
    %dma_start3A_61 = tpu.memref_slice %arg12[%dma_start3A_54, %dma_start3A_59, %dma_start3A_60] : memref<16x65x64xf32, #tpu.memory_space<vmem>> -> memref<1x1x64xf32, #tpu.memory_space<vmem>>
    %dma_start3A_62 = tpu.memref_squeeze %dma_start3A_61 : memref<1x1x64xf32, #tpu.memory_space<vmem>> -> memref<1x64xf32, #tpu.memory_space<vmem>>
    tpu.enqueue_dma source(%arg6 : memref<1x64xf32, #tpu.memory_space<hbm>>) target(%dma_start3A_62 : memref<1x64xf32, #tpu.memory_space<vmem>>) target_semaphore(%arg14 : memref<!tpu.dma_semaphore, #tpu.memory_space<semaphore_mem>>)
    %dma_start3A_63 = arith.constant 7 : i32
    %dma_start3A_64 = arith.constant 0 : i32
    %dma_start3A_65 = arith.constant 0 : i32
    %dma_start3A_66 = tpu.memref_slice %arg12[%dma_start3A_63, %dma_start3A_64, %dma_start3A_65] : memref<16x65x64xf32, #tpu.memory_space<vmem>> -> memref<1x1x64xf32, #tpu.memory_space<vmem>>
    %dma_start3A_67 = tpu.memref_squeeze %dma_start3A_66 : memref<1x1x64xf32, #tpu.memory_space<vmem>> -> memref<1x64xf32, #tpu.memory_space<vmem>>
    %dma_start3A_68 = arith.constant 0 : i32
    %dma_start3A_69 = arith.constant 0 : i32
    %dma_start3A_70 = tpu.memref_slice %arg12[%dma_start3A_63, %dma_start3A_68, %dma_start3A_69] : memref<16x65x64xf32, #tpu.memory_space<vmem>> -> memref<1x1x64xf32, #tpu.memory_space<vmem>>
    %dma_start3A_71 = tpu.memref_squeeze %dma_start3A_70 : memref<1x1x64xf32, #tpu.memory_space<vmem>> -> memref<1x64xf32, #tpu.memory_space<vmem>>
    tpu.enqueue_dma source(%arg6 : memref<1x64xf32, #tpu.memory_space<hbm>>) target(%dma_start3A_71 : memref<1x64xf32, #tpu.memory_space<vmem>>) target_semaphore(%arg14 : memref<!tpu.dma_semaphore, #tpu.memory_space<semaphore_mem>>)
    %dma_start3A_72 = arith.constant 8 : i32
    %dma_start3A_73 = arith.constant 0 : i32
    %dma_start3A_74 = arith.constant 0 : i32
    %dma_start3A_75 = tpu.memref_slice %arg12[%dma_start3A_72, %dma_start3A_73, %dma_start3A_74] : memref<16x65x64xf32, #tpu.memory_space<vmem>> -> memref<1x1x64xf32, #tpu.memory_space<vmem>>
    %dma_start3A_76 = tpu.memref_squeeze %dma_start3A_75 : memref<1x1x64xf32, #tpu.memory_space<vmem>> -> memref<1x64xf32, #tpu.memory_space<vmem>>
    %dma_start3A_77 = arith.constant 0 : i32
    %dma_start3A_78 = arith.constant 0 : i32
    %dma_start3A_79 = tpu.memref_slice %arg12[%dma_start3A_72, %dma_start3A_77, %dma_start3A_78] : memref<16x65x64xf32, #tpu.memory_space<vmem>> -> memref<1x1x64xf32, #tpu.memory_space<vmem>>
    %dma_start3A_80 = tpu.memref_squeeze %dma_start3A_79 : memref<1x1x64xf32, #tpu.memory_space<vmem>> -> memref<1x64xf32, #tpu.memory_space<vmem>>
    tpu.enqueue_dma source(%arg6 : memref<1x64xf32, #tpu.memory_space<hbm>>) target(%dma_start3A_80 : memref<1x64xf32, #tpu.memory_space<vmem>>) target_semaphore(%arg14 : memref<!tpu.dma_semaphore, #tpu.memory_space<semaphore_mem>>)
    %dma_start3A_81 = arith.constant 9 : i32
    %dma_start3A_82 = arith.constant 0 : i32
    %dma_start3A_83 = arith.constant 0 : i32
    %dma_start3A_84 = tpu.memref_slice %arg12[%dma_start3A_81, %dma_start3A_82, %dma_start3A_83] : memref<16x65x64xf32, #tpu.memory_space<vmem>> -> memref<1x1x64xf32, #tpu.memory_space<vmem>>
    %dma_start3A_85 = tpu.memref_squeeze %dma_start3A_84 : memref<1x1x64xf32, #tpu.memory_space<vmem>> -> memref<1x64xf32, #tpu.memory_space<vmem>>
    %dma_start3A_86 = arith.constant 0 : i32
    %dma_start3A_87 = arith.constant 0 : i32
    %dma_start3A_88 = tpu.memref_slice %arg12[%dma_start3A_81, %dma_start3A_86, %dma_start3A_87] : memref<16x65x64xf32, #tpu.memory_space<vmem>> -> memref<1x1x64xf32, #tpu.memory_space<vmem>>
    %dma_start3A_89 = tpu.memref_squeeze %dma_start3A_88 : memref<1x1x64xf32, #tpu.memory_space<vmem>> -> memref<1x64xf32, #tpu.memory_space<vmem>>
    tpu.enqueue_dma source(%arg6 : memref<1x64xf32, #tpu.memory_space<hbm>>) target(%dma_start3A_89 : memref<1x64xf32, #tpu.memory_space<vmem>>) target_semaphore(%arg14 : memref<!tpu.dma_semaphore, #tpu.memory_space<semaphore_mem>>)
    %dma_start3A_90 = arith.constant 10 : i32
    %dma_start3A_91 = arith.constant 0 : i32
    %dma_start3A_92 = arith.constant 0 : i32
    %dma_start3A_93 = tpu.memref_slice %arg12[%dma_start3A_90, %dma_start3A_91, %dma_start3A_92] : memref<16x65x64xf32, #tpu.memory_space<vmem>> -> memref<1x1x64xf32, #tpu.memory_space<vmem>>
    %dma_start3A_94 = tpu.memref_squeeze %dma_start3A_93 : memref<1x1x64xf32, #tpu.memory_space<vmem>> -> memref<1x64xf32, #tpu.memory_space<vmem>>
    %dma_start3A_95 = arith.constant 0 : i32
    %dma_start3A_96 = arith.constant 0 : i32
    %dma_start3A_97 = tpu.memref_slice %arg12[%dma_start3A_90, %dma_start3A_95, %dma_start3A_96] : memref<16x65x64xf32, #tpu.memory_space<vmem>> -> memref<1x1x64xf32, #tpu.memory_space<vmem>>
    %dma_start3A_98 = tpu.memref_squeeze %dma_start3A_97 : memref<1x1x64xf32, #tpu.memory_space<vmem>> -> memref<1x64xf32, #tpu.memory_space<vmem>>
    tpu.enqueue_dma source(%arg6 : memref<1x64xf32, #tpu.memory_space<hbm>>) target(%dma_start3A_98 : memref<1x64xf32, #tpu.memory_space<vmem>>) target_semaphore(%arg14 : memref<!tpu.dma_semaphore, #tpu.memory_space<semaphore_mem>>)
    %dma_start3A_99 = arith.constant 11 : i32
    %dma_start3A_100 = arith.constant 0 : i32
    %dma_start3A_101 = arith.constant 0 : i32
    %dma_start3A_102 = tpu.memref_slice %arg12[%dma_start3A_99, %dma_start3A_100, %dma_start3A_101] : memref<16x65x64xf32, #tpu.memory_space<vmem>> -> memref<1x1x64xf32, #tpu.memory_space<vmem>>
    %dma_start3A_103 = tpu.memref_squeeze %dma_start3A_102 : memref<1x1x64xf32, #tpu.memory_space<vmem>> -> memref<1x64xf32, #tpu.memory_space<vmem>>
    %dma_start3A_104 = arith.constant 0 : i32
    %dma_start3A_105 = arith.constant 0 : i32
    %dma_start3A_106 = tpu.memref_slice %arg12[%dma_start3A_99, %dma_start3A_104, %dma_start3A_105] : memref<16x65x64xf32, #tpu.memory_space<vmem>> -> memref<1x1x64xf32, #tpu.memory_space<vmem>>
    %dma_start3A_107 = tpu.memref_squeeze %dma_start3A_106 : memref<1x1x64xf32, #tpu.memory_space<vmem>> -> memref<1x64xf32, #tpu.memory_space<vmem>>
    tpu.enqueue_dma source(%arg6 : memref<1x64xf32, #tpu.memory_space<hbm>>) target(%dma_start3A_107 : memref<1x64xf32, #tpu.memory_space<vmem>>) target_semaphore(%arg14 : memref<!tpu.dma_semaphore, #tpu.memory_space<semaphore_mem>>)
    %dma_start3A_108 = arith.constant 12 : i32
    %dma_start3A_109 = arith.constant 0 : i32
    %dma_start3A_110 = arith.constant 0 : i32
    %dma_start3A_111 = tpu.memref_slice %arg12[%dma_start3A_108, %dma_start3A_109, %dma_start3A_110] : memref<16x65x64xf32, #tpu.memory_space<vmem>> -> memref<1x1x64xf32, #tpu.memory_space<vmem>>
    %dma_start3A_112 = tpu.memref_squeeze %dma_start3A_111 : memref<1x1x64xf32, #tpu.memory_space<vmem>> -> memref<1x64xf32, #tpu.memory_space<vmem>>
    %dma_start3A_113 = arith.constant 0 : i32
    %dma_start3A_114 = arith.constant 0 : i32
    %dma_start3A_115 = tpu.memref_slice %arg12[%dma_start3A_108, %dma_start3A_113, %dma_start3A_114] : memref<16x65x64xf32, #tpu.memory_space<vmem>> -> memref<1x1x64xf32, #tpu.memory_space<vmem>>
    %dma_start3A_116 = tpu.memref_squeeze %dma_start3A_115 : memref<1x1x64xf32, #tpu.memory_space<vmem>> -> memref<1x64xf32, #tpu.memory_space<vmem>>
    tpu.enqueue_dma source(%arg6 : memref<1x64xf32, #tpu.memory_space<hbm>>) target(%dma_start3A_116 : memref<1x64xf32, #tpu.memory_space<vmem>>) target_semaphore(%arg14 : memref<!tpu.dma_semaphore, #tpu.memory_space<semaphore_mem>>)
    %dma_start3A_117 = arith.constant 13 : i32
    %dma_start3A_118 = arith.constant 0 : i32
    %dma_start3A_119 = arith.constant 0 : i32
    %dma_start3A_120 = tpu.memref_slice %arg12[%dma_start3A_117, %dma_start3A_118, %dma_start3A_119] : memref<16x65x64xf32, #tpu.memory_space<vmem>> -> memref<1x1x64xf32, #tpu.memory_space<vmem>>
    %dma_start3A_121 = tpu.memref_squeeze %dma_start3A_120 : memref<1x1x64xf32, #tpu.memory_space<vmem>> -> memref<1x64xf32, #tpu.memory_space<vmem>>
    %dma_start3A_122 = arith.constant 0 : i32
    %dma_start3A_123 = arith.constant 0 : i32
    %dma_start3A_124 = tpu.memref_slice %arg12[%dma_start3A_117, %dma_start3A_122, %dma_start3A_123] : memref<16x65x64xf32, #tpu.memory_space<vmem>> -> memref<1x1x64xf32, #tpu.memory_space<vmem>>
    %dma_start3A_125 = tpu.memref_squeeze %dma_start3A_124 : memref<1x1x64xf32, #tpu.memory_space<vmem>> -> memref<1x64xf32, #tpu.memory_space<vmem>>
    tpu.enqueue_dma source(%arg6 : memref<1x64xf32, #tpu.memory_space<hbm>>) target(%dma_start3A_125 : memref<1x64xf32, #tpu.memory_space<vmem>>) target_semaphore(%arg14 : memref<!tpu.dma_semaphore, #tpu.memory_space<semaphore_mem>>)
    %dma_start3A_126 = arith.constant 14 : i32
    %dma_start3A_127 = arith.constant 0 : i32
    %dma_start3A_128 = arith.constant 0 : i32
    %dma_start3A_129 = tpu.memref_slice %arg12[%dma_start3A_126, %dma_start3A_127, %dma_start3A_128] : memref<16x65x64xf32, #tpu.memory_space<vmem>> -> memref<1x1x64xf32, #tpu.memory_space<vmem>>
    %dma_start3A_130 = tpu.memref_squeeze %dma_start3A_129 : memref<1x1x64xf32, #tpu.memory_space<vmem>> -> memref<1x64xf32, #tpu.memory_space<vmem>>
    %dma_start3A_131 = arith.constant 0 : i32
    %dma_start3A_132 = arith.constant 0 : i32
    %dma_start3A_133 = tpu.memref_slice %arg12[%dma_start3A_126, %dma_start3A_131, %dma_start3A_132] : memref<16x65x64xf32, #tpu.memory_space<vmem>> -> memref<1x1x64xf32, #tpu.memory_space<vmem>>
    %dma_start3A_134 = tpu.memref_squeeze %dma_start3A_133 : memref<1x1x64xf32, #tpu.memory_space<vmem>> -> memref<1x64xf32, #tpu.memory_space<vmem>>
    tpu.enqueue_dma source(%arg6 : memref<1x64xf32, #tpu.memory_space<hbm>>) target(%dma_start3A_134 : memref<1x64xf32, #tpu.memory_space<vmem>>) target_semaphore(%arg14 : memref<!tpu.dma_semaphore, #tpu.memory_space<semaphore_mem>>)
    %dma_start3A_135 = arith.constant 15 : i32
    %dma_start3A_136 = arith.constant 0 : i32
    %dma_start3A_137 = arith.constant 0 : i32
    %dma_start3A_138 = tpu.memref_slice %arg12[%dma_start3A_135, %dma_start3A_136, %dma_start3A_137] : memref<16x65x64xf32, #tpu.memory_space<vmem>> -> memref<1x1x64xf32, #tpu.memory_space<vmem>>
    %dma_start3A_139 = tpu.memref_squeeze %dma_start3A_138 : memref<1x1x64xf32, #tpu.memory_space<vmem>> -> memref<1x64xf32, #tpu.memory_space<vmem>>
    %dma_start3A_140 = arith.constant 0 : i32
    %dma_start3A_141 = arith.constant 0 : i32
    %dma_start3A_142 = tpu.memref_slice %arg12[%dma_start3A_135, %dma_start3A_140, %dma_start3A_141] : memref<16x65x64xf32, #tpu.memory_space<vmem>> -> memref<1x1x64xf32, #tpu.memory_space<vmem>>
    %dma_start3A_143 = tpu.memref_squeeze %dma_start3A_142 : memref<1x1x64xf32, #tpu.memory_space<vmem>> -> memref<1x64xf32, #tpu.memory_space<vmem>>
    tpu.enqueue_dma source(%arg6 : memref<1x64xf32, #tpu.memory_space<hbm>>) target(%dma_start3A_143 : memref<1x64xf32, #tpu.memory_space<vmem>>) target_semaphore(%arg14 : memref<!tpu.dma_semaphore, #tpu.memory_space<semaphore_mem>>)
    %dma_wait3A = arith.constant 0 : i32
    %dma_wait3A_144 = arith.constant 0 : i32
    %dma_wait3A_145 = arith.constant 0 : i32
    %dma_wait3A_146 = tpu.memref_slice %arg12[%dma_wait3A, %dma_wait3A_144, %dma_wait3A_145] : memref<16x65x64xf32, #tpu.memory_space<vmem>> -> memref<1x1x64xf32, #tpu.memory_space<vmem>>
    %dma_wait3A_147 = tpu.memref_squeeze %dma_wait3A_146 : memref<1x1x64xf32, #tpu.memory_space<vmem>> -> memref<1x64xf32, #tpu.memory_space<vmem>>
    %dma_wait3A_148 = arith.constant 0 : i32
    %dma_wait3A_149 = arith.constant 0 : i32
    %dma_wait3A_150 = tpu.memref_slice %arg12[%dma_wait3A, %dma_wait3A_148, %dma_wait3A_149] : memref<16x65x64xf32, #tpu.memory_space<vmem>> -> memref<1x1x64xf32, #tpu.memory_space<vmem>>
    %dma_wait3A_151 = tpu.memref_squeeze %dma_wait3A_150 : memref<1x1x64xf32, #tpu.memory_space<vmem>> -> memref<1x64xf32, #tpu.memory_space<vmem>>
    tpu.wait_dma2 semaphore(%arg14 : memref<!tpu.dma_semaphore, #tpu.memory_space<semaphore_mem>>) src(%arg6 : memref<1x64xf32, #tpu.memory_space<hbm>>) dst(%dma_wait3A_151 : memref<1x64xf32, #tpu.memory_space<vmem>>)
    %dma_wait3A_152 = arith.constant 1 : i32
    %dma_wait3A_153 = arith.constant 0 : i32
    %dma_wait3A_154 = arith.constant 0 : i32
    %dma_wait3A_155 = tpu.memref_slice %arg12[%dma_wait3A_152, %dma_wait3A_153, %dma_wait3A_154] : memref<16x65x64xf32, #tpu.memory_space<vmem>> -> memref<1x1x64xf32, #tpu.memory_space<vmem>>
    %dma_wait3A_156 = tpu.memref_squeeze %dma_wait3A_155 : memref<1x1x64xf32, #tpu.memory_space<vmem>> -> memref<1x64xf32, #tpu.memory_space<vmem>>
    %dma_wait3A_157 = arith.constant 0 : i32
    %dma_wait3A_158 = arith.constant 0 : i32
    %dma_wait3A_159 = tpu.memref_slice %arg12[%dma_wait3A_152, %dma_wait3A_157, %dma_wait3A_158] : memref<16x65x64xf32, #tpu.memory_space<vmem>> -> memref<1x1x64xf32, #tpu.memory_space<vmem>>
    %dma_wait3A_160 = tpu.memref_squeeze %dma_wait3A_159 : memref<1x1x64xf32, #tpu.memory_space<vmem>> -> memref<1x64xf32, #tpu.memory_space<vmem>>
    tpu.wait_dma2 semaphore(%arg14 : memref<!tpu.dma_semaphore, #tpu.memory_space<semaphore_mem>>) src(%arg6 : memref<1x64xf32, #tpu.memory_space<hbm>>) dst(%dma_wait3A_160 : memref<1x64xf32, #tpu.memory_space<vmem>>)
    %dma_wait3A_161 = arith.constant 2 : i32
    %dma_wait3A_162 = arith.constant 0 : i32
    %dma_wait3A_163 = arith.constant 0 : i32
    %dma_wait3A_164 = tpu.memref_slice %arg12[%dma_wait3A_161, %dma_wait3A_162, %dma_wait3A_163] : memref<16x65x64xf32, #tpu.memory_space<vmem>> -> memref<1x1x64xf32, #tpu.memory_space<vmem>>
    %dma_wait3A_165 = tpu.memref_squeeze %dma_wait3A_164 : memref<1x1x64xf32, #tpu.memory_space<vmem>> -> memref<1x64xf32, #tpu.memory_space<vmem>>
    %dma_wait3A_166 = arith.constant 0 : i32
    %dma_wait3A_167 = arith.constant 0 : i32
    %dma_wait3A_168 = tpu.memref_slice %arg12[%dma_wait3A_161, %dma_wait3A_166, %dma_wait3A_167] : memref<16x65x64xf32, #tpu.memory_space<vmem>> -> memref<1x1x64xf32, #tpu.memory_space<vmem>>
    %dma_wait3A_169 = tpu.memref_squeeze %dma_wait3A_168 : memref<1x1x64xf32, #tpu.memory_space<vmem>> -> memref<1x64xf32, #tpu.memory_space<vmem>>
    tpu.wait_dma2 semaphore(%arg14 : memref<!tpu.dma_semaphore, #tpu.memory_space<semaphore_mem>>) src(%arg6 : memref<1x64xf32, #tpu.memory_space<hbm>>) dst(%dma_wait3A_169 : memref<1x64xf32, #tpu.memory_space<vmem>>)
    %dma_wait3A_170 = arith.constant 3 : i32
    %dma_wait3A_171 = arith.constant 0 : i32
    %dma_wait3A_172 = arith.constant 0 : i32
    %dma_wait3A_173 = tpu.memref_slice %arg12[%dma_wait3A_170, %dma_wait3A_171, %dma_wait3A_172] : memref<16x65x64xf32, #tpu.memory_space<vmem>> -> memref<1x1x64xf32, #tpu.memory_space<vmem>>
    %dma_wait3A_174 = tpu.memref_squeeze %dma_wait3A_173 : memref<1x1x64xf32, #tpu.memory_space<vmem>> -> memref<1x64xf32, #tpu.memory_space<vmem>>
    %dma_wait3A_175 = arith.constant 0 : i32
    %dma_wait3A_176 = arith.constant 0 : i32
    %dma_wait3A_177 = tpu.memref_slice %arg12[%dma_wait3A_170, %dma_wait3A_175, %dma_wait3A_176] : memref<16x65x64xf32, #tpu.memory_space<vmem>> -> memref<1x1x64xf32, #tpu.memory_space<vmem>>
    %dma_wait3A_178 = tpu.memref_squeeze %dma_wait3A_177 : memref<1x1x64xf32, #tpu.memory_space<vmem>> -> memref<1x64xf32, #tpu.memory_space<vmem>>
    tpu.wait_dma2 semaphore(%arg14 : memref<!tpu.dma_semaphore, #tpu.memory_space<semaphore_mem>>) src(%arg6 : memref<1x64xf32, #tpu.memory_space<hbm>>) dst(%dma_wait3A_178 : memref<1x64xf32, #tpu.memory_space<vmem>>)
    %dma_wait3A_179 = arith.constant 4 : i32
    %dma_wait3A_180 = arith.constant 0 : i32
    %dma_wait3A_181 = arith.constant 0 : i32
    %dma_wait3A_182 = tpu.memref_slice %arg12[%dma_wait3A_179, %dma_wait3A_180, %dma_wait3A_181] : memref<16x65x64xf32, #tpu.memory_space<vmem>> -> memref<1x1x64xf32, #tpu.memory_space<vmem>>
    %dma_wait3A_183 = tpu.memref_squeeze %dma_wait3A_182 : memref<1x1x64xf32, #tpu.memory_space<vmem>> -> memref<1x64xf32, #tpu.memory_space<vmem>>
    %dma_wait3A_184 = arith.constant 0 : i32
    %dma_wait3A_185 = arith.constant 0 : i32
    %dma_wait3A_186 = tpu.memref_slice %arg12[%dma_wait3A_179, %dma_wait3A_184, %dma_wait3A_185] : memref<16x65x64xf32, #tpu.memory_space<vmem>> -> memref<1x1x64xf32, #tpu.memory_space<vmem>>
    %dma_wait3A_187 = tpu.memref_squeeze %dma_wait3A_186 : memref<1x1x64xf32, #tpu.memory_space<vmem>> -> memref<1x64xf32, #tpu.memory_space<vmem>>
    tpu.wait_dma2 semaphore(%arg14 : memref<!tpu.dma_semaphore, #tpu.memory_space<semaphore_mem>>) src(%arg6 : memref<1x64xf32, #tpu.memory_space<hbm>>) dst(%dma_wait3A_187 : memref<1x64xf32, #tpu.memory_space<vmem>>)
    %dma_wait3A_188 = arith.constant 5 : i32
    %dma_wait3A_189 = arith.constant 0 : i32
    %dma_wait3A_190 = arith.constant 0 : i32
    %dma_wait3A_191 = tpu.memref_slice %arg12[%dma_wait3A_188, %dma_wait3A_189, %dma_wait3A_190] : memref<16x65x64xf32, #tpu.memory_space<vmem>> -> memref<1x1x64xf32, #tpu.memory_space<vmem>>
    %dma_wait3A_192 = tpu.memref_squeeze %dma_wait3A_191 : memref<1x1x64xf32, #tpu.memory_space<vmem>> -> memref<1x64xf32, #tpu.memory_space<vmem>>
    %dma_wait3A_193 = arith.constant 0 : i32
    %dma_wait3A_194 = arith.constant 0 : i32
    %dma_wait3A_195 = tpu.memref_slice %arg12[%dma_wait3A_188, %dma_wait3A_193, %dma_wait3A_194] : memref<16x65x64xf32, #tpu.memory_space<vmem>> -> memref<1x1x64xf32, #tpu.memory_space<vmem>>
    %dma_wait3A_196 = tpu.memref_squeeze %dma_wait3A_195 : memref<1x1x64xf32, #tpu.memory_space<vmem>> -> memref<1x64xf32, #tpu.memory_space<vmem>>
    tpu.wait_dma2 semaphore(%arg14 : memref<!tpu.dma_semaphore, #tpu.memory_space<semaphore_mem>>) src(%arg6 : memref<1x64xf32, #tpu.memory_space<hbm>>) dst(%dma_wait3A_196 : memref<1x64xf32, #tpu.memory_space<vmem>>)
    %dma_wait3A_197 = arith.constant 6 : i32
    %dma_wait3A_198 = arith.constant 0 : i32
    %dma_wait3A_199 = arith.constant 0 : i32
    %dma_wait3A_200 = tpu.memref_slice %arg12[%dma_wait3A_197, %dma_wait3A_198, %dma_wait3A_199] : memref<16x65x64xf32, #tpu.memory_space<vmem>> -> memref<1x1x64xf32, #tpu.memory_space<vmem>>
    %dma_wait3A_201 = tpu.memref_squeeze %dma_wait3A_200 : memref<1x1x64xf32, #tpu.memory_space<vmem>> -> memref<1x64xf32, #tpu.memory_space<vmem>>
    %dma_wait3A_202 = arith.constant 0 : i32
    %dma_wait3A_203 = arith.constant 0 : i32
    %dma_wait3A_204 = tpu.memref_slice %arg12[%dma_wait3A_197, %dma_wait3A_202, %dma_wait3A_203] : memref<16x65x64xf32, #tpu.memory_space<vmem>> -> memref<1x1x64xf32, #tpu.memory_space<vmem>>
    %dma_wait3A_205 = tpu.memref_squeeze %dma_wait3A_204 : memref<1x1x64xf32, #tpu.memory_space<vmem>> -> memref<1x64xf32, #tpu.memory_space<vmem>>
    tpu.wait_dma2 semaphore(%arg14 : memref<!tpu.dma_semaphore, #tpu.memory_space<semaphore_mem>>) src(%arg6 : memref<1x64xf32, #tpu.memory_space<hbm>>) dst(%dma_wait3A_205 : memref<1x64xf32, #tpu.memory_space<vmem>>)
    %dma_wait3A_206 = arith.constant 7 : i32
    %dma_wait3A_207 = arith.constant 0 : i32
    %dma_wait3A_208 = arith.constant 0 : i32
    %dma_wait3A_209 = tpu.memref_slice %arg12[%dma_wait3A_206, %dma_wait3A_207, %dma_wait3A_208] : memref<16x65x64xf32, #tpu.memory_space<vmem>> -> memref<1x1x64xf32, #tpu.memory_space<vmem>>
    %dma_wait3A_210 = tpu.memref_squeeze %dma_wait3A_209 : memref<1x1x64xf32, #tpu.memory_space<vmem>> -> memref<1x64xf32, #tpu.memory_space<vmem>>
    %dma_wait3A_211 = arith.constant 0 : i32
    %dma_wait3A_212 = arith.constant 0 : i32
    %dma_wait3A_213 = tpu.memref_slice %arg12[%dma_wait3A_206, %dma_wait3A_211, %dma_wait3A_212] : memref<16x65x64xf32, #tpu.memory_space<vmem>> -> memref<1x1x64xf32, #tpu.memory_space<vmem>>
    %dma_wait3A_214 = tpu.memref_squeeze %dma_wait3A_213 : memref<1x1x64xf32, #tpu.memory_space<vmem>> -> memref<1x64xf32, #tpu.memory_space<vmem>>
    tpu.wait_dma2 semaphore(%arg14 : memref<!tpu.dma_semaphore, #tpu.memory_space<semaphore_mem>>) src(%arg6 : memref<1x64xf32, #tpu.memory_space<hbm>>) dst(%dma_wait3A_214 : memref<1x64xf32, #tpu.memory_space<vmem>>)
    %dma_wait3A_215 = arith.constant 8 : i32
    %dma_wait3A_216 = arith.constant 0 : i32
    %dma_wait3A_217 = arith.constant 0 : i32
    %dma_wait3A_218 = tpu.memref_slice %arg12[%dma_wait3A_215, %dma_wait3A_216, %dma_wait3A_217] : memref<16x65x64xf32, #tpu.memory_space<vmem>> -> memref<1x1x64xf32, #tpu.memory_space<vmem>>
    %dma_wait3A_219 = tpu.memref_squeeze %dma_wait3A_218 : memref<1x1x64xf32, #tpu.memory_space<vmem>> -> memref<1x64xf32, #tpu.memory_space<vmem>>
    %dma_wait3A_220 = arith.constant 0 : i32
    %dma_wait3A_221 = arith.constant 0 : i32
    %dma_wait3A_222 = tpu.memref_slice %arg12[%dma_wait3A_215, %dma_wait3A_220, %dma_wait3A_221] : memref<16x65x64xf32, #tpu.memory_space<vmem>> -> memref<1x1x64xf32, #tpu.memory_space<vmem>>
    %dma_wait3A_223 = tpu.memref_squeeze %dma_wait3A_222 : memref<1x1x64xf32, #tpu.memory_space<vmem>> -> memref<1x64xf32, #tpu.memory_space<vmem>>
    tpu.wait_dma2 semaphore(%arg14 : memref<!tpu.dma_semaphore, #tpu.memory_space<semaphore_mem>>) src(%arg6 : memref<1x64xf32, #tpu.memory_space<hbm>>) dst(%dma_wait3A_223 : memref<1x64xf32, #tpu.memory_space<vmem>>)
    %dma_wait3A_224 = arith.constant 9 : i32
    %dma_wait3A_225 = arith.constant 0 : i32
    %dma_wait3A_226 = arith.constant 0 : i32
    %dma_wait3A_227 = tpu.memref_slice %arg12[%dma_wait3A_224, %dma_wait3A_225, %dma_wait3A_226] : memref<16x65x64xf32, #tpu.memory_space<vmem>> -> memref<1x1x64xf32, #tpu.memory_space<vmem>>
    %dma_wait3A_228 = tpu.memref_squeeze %dma_wait3A_227 : memref<1x1x64xf32, #tpu.memory_space<vmem>> -> memref<1x64xf32, #tpu.memory_space<vmem>>
    %dma_wait3A_229 = arith.constant 0 : i32
    %dma_wait3A_230 = arith.constant 0 : i32
    %dma_wait3A_231 = tpu.memref_slice %arg12[%dma_wait3A_224, %dma_wait3A_229, %dma_wait3A_230] : memref<16x65x64xf32, #tpu.memory_space<vmem>> -> memref<1x1x64xf32, #tpu.memory_space<vmem>>
    %dma_wait3A_232 = tpu.memref_squeeze %dma_wait3A_231 : memref<1x1x64xf32, #tpu.memory_space<vmem>> -> memref<1x64xf32, #tpu.memory_space<vmem>>
    tpu.wait_dma2 semaphore(%arg14 : memref<!tpu.dma_semaphore, #tpu.memory_space<semaphore_mem>>) src(%arg6 : memref<1x64xf32, #tpu.memory_space<hbm>>) dst(%dma_wait3A_232 : memref<1x64xf32, #tpu.memory_space<vmem>>)
    %dma_wait3A_233 = arith.constant 10 : i32
    %dma_wait3A_234 = arith.constant 0 : i32
    %dma_wait3A_235 = arith.constant 0 : i32
    %dma_wait3A_236 = tpu.memref_slice %arg12[%dma_wait3A_233, %dma_wait3A_234, %dma_wait3A_235] : memref<16x65x64xf32, #tpu.memory_space<vmem>> -> memref<1x1x64xf32, #tpu.memory_space<vmem>>
    %dma_wait3A_237 = tpu.memref_squeeze %dma_wait3A_236 : memref<1x1x64xf32, #tpu.memory_space<vmem>> -> memref<1x64xf32, #tpu.memory_space<vmem>>
    %dma_wait3A_238 = arith.constant 0 : i32
    %dma_wait3A_239 = arith.constant 0 : i32
    %dma_wait3A_240 = tpu.memref_slice %arg12[%dma_wait3A_233, %dma_wait3A_238, %dma_wait3A_239] : memref<16x65x64xf32, #tpu.memory_space<vmem>> -> memref<1x1x64xf32, #tpu.memory_space<vmem>>
    %dma_wait3A_241 = tpu.memref_squeeze %dma_wait3A_240 : memref<1x1x64xf32, #tpu.memory_space<vmem>> -> memref<1x64xf32, #tpu.memory_space<vmem>>
    tpu.wait_dma2 semaphore(%arg14 : memref<!tpu.dma_semaphore, #tpu.memory_space<semaphore_mem>>) src(%arg6 : memref<1x64xf32, #tpu.memory_space<hbm>>) dst(%dma_wait3A_241 : memref<1x64xf32, #tpu.memory_space<vmem>>)
    %dma_wait3A_242 = arith.constant 11 : i32
    %dma_wait3A_243 = arith.constant 0 : i32
    %dma_wait3A_244 = arith.constant 0 : i32
    %dma_wait3A_245 = tpu.memref_slice %arg12[%dma_wait3A_242, %dma_wait3A_243, %dma_wait3A_244] : memref<16x65x64xf32, #tpu.memory_space<vmem>> -> memref<1x1x64xf32, #tpu.memory_space<vmem>>
    %dma_wait3A_246 = tpu.memref_squeeze %dma_wait3A_245 : memref<1x1x64xf32, #tpu.memory_space<vmem>> -> memref<1x64xf32, #tpu.memory_space<vmem>>
    %dma_wait3A_247 = arith.constant 0 : i32
    %dma_wait3A_248 = arith.constant 0 : i32
    %dma_wait3A_249 = tpu.memref_slice %arg12[%dma_wait3A_242, %dma_wait3A_247, %dma_wait3A_248] : memref<16x65x64xf32, #tpu.memory_space<vmem>> -> memref<1x1x64xf32, #tpu.memory_space<vmem>>
    %dma_wait3A_250 = tpu.memref_squeeze %dma_wait3A_249 : memref<1x1x64xf32, #tpu.memory_space<vmem>> -> memref<1x64xf32, #tpu.memory_space<vmem>>
    tpu.wait_dma2 semaphore(%arg14 : memref<!tpu.dma_semaphore, #tpu.memory_space<semaphore_mem>>) src(%arg6 : memref<1x64xf32, #tpu.memory_space<hbm>>) dst(%dma_wait3A_250 : memref<1x64xf32, #tpu.memory_space<vmem>>)
    %dma_wait3A_251 = arith.constant 12 : i32
    %dma_wait3A_252 = arith.constant 0 : i32
    %dma_wait3A_253 = arith.constant 0 : i32
    %dma_wait3A_254 = tpu.memref_slice %arg12[%dma_wait3A_251, %dma_wait3A_252, %dma_wait3A_253] : memref<16x65x64xf32, #tpu.memory_space<vmem>> -> memref<1x1x64xf32, #tpu.memory_space<vmem>>
    %dma_wait3A_255 = tpu.memref_squeeze %dma_wait3A_254 : memref<1x1x64xf32, #tpu.memory_space<vmem>> -> memref<1x64xf32, #tpu.memory_space<vmem>>
    %dma_wait3A_256 = arith.constant 0 : i32
    %dma_wait3A_257 = arith.constant 0 : i32
    %dma_wait3A_258 = tpu.memref_slice %arg12[%dma_wait3A_251, %dma_wait3A_256, %dma_wait3A_257] : memref<16x65x64xf32, #tpu.memory_space<vmem>> -> memref<1x1x64xf32, #tpu.memory_space<vmem>>
    %dma_wait3A_259 = tpu.memref_squeeze %dma_wait3A_258 : memref<1x1x64xf32, #tpu.memory_space<vmem>> -> memref<1x64xf32, #tpu.memory_space<vmem>>
    tpu.wait_dma2 semaphore(%arg14 : memref<!tpu.dma_semaphore, #tpu.memory_space<semaphore_mem>>) src(%arg6 : memref<1x64xf32, #tpu.memory_space<hbm>>) dst(%dma_wait3A_259 : memref<1x64xf32, #tpu.memory_space<vmem>>)
    %dma_wait3A_260 = arith.constant 13 : i32
    %dma_wait3A_261 = arith.constant 0 : i32
    %dma_wait3A_262 = arith.constant 0 : i32
    %dma_wait3A_263 = tpu.memref_slice %arg12[%dma_wait3A_260, %dma_wait3A_261, %dma_wait3A_262] : memref<16x65x64xf32, #tpu.memory_space<vmem>> -> memref<1x1x64xf32, #tpu.memory_space<vmem>>
    %dma_wait3A_264 = tpu.memref_squeeze %dma_wait3A_263 : memref<1x1x64xf32, #tpu.memory_space<vmem>> -> memref<1x64xf32, #tpu.memory_space<vmem>>
    %dma_wait3A_265 = arith.constant 0 : i32
    %dma_wait3A_266 = arith.constant 0 : i32
    %dma_wait3A_267 = tpu.memref_slice %arg12[%dma_wait3A_260, %dma_wait3A_265, %dma_wait3A_266] : memref<16x65x64xf32, #tpu.memory_space<vmem>> -> memref<1x1x64xf32, #tpu.memory_space<vmem>>
    %dma_wait3A_268 = tpu.memref_squeeze %dma_wait3A_267 : memref<1x1x64xf32, #tpu.memory_space<vmem>> -> memref<1x64xf32, #tpu.memory_space<vmem>>
    tpu.wait_dma2 semaphore(%arg14 : memref<!tpu.dma_semaphore, #tpu.memory_space<semaphore_mem>>) src(%arg6 : memref<1x64xf32, #tpu.memory_space<hbm>>) dst(%dma_wait3A_268 : memref<1x64xf32, #tpu.memory_space<vmem>>)
    %dma_wait3A_269 = arith.constant 14 : i32
    %dma_wait3A_270 = arith.constant 0 : i32
    %dma_wait3A_271 = arith.constant 0 : i32
    %dma_wait3A_272 = tpu.memref_slice %arg12[%dma_wait3A_269, %dma_wait3A_270, %dma_wait3A_271] : memref<16x65x64xf32, #tpu.memory_space<vmem>> -> memref<1x1x64xf32, #tpu.memory_space<vmem>>
    %dma_wait3A_273 = tpu.memref_squeeze %dma_wait3A_272 : memref<1x1x64xf32, #tpu.memory_space<vmem>> -> memref<1x64xf32, #tpu.memory_space<vmem>>
    %dma_wait3A_274 = arith.constant 0 : i32
    %dma_wait3A_275 = arith.constant 0 : i32
    %dma_wait3A_276 = tpu.memref_slice %arg12[%dma_wait3A_269, %dma_wait3A_274, %dma_wait3A_275] : memref<16x65x64xf32, #tpu.memory_space<vmem>> -> memref<1x1x64xf32, #tpu.memory_space<vmem>>
    %dma_wait3A_277 = tpu.memref_squeeze %dma_wait3A_276 : memref<1x1x64xf32, #tpu.memory_space<vmem>> -> memref<1x64xf32, #tpu.memory_space<vmem>>
    tpu.wait_dma2 semaphore(%arg14 : memref<!tpu.dma_semaphore, #tpu.memory_space<semaphore_mem>>) src(%arg6 : memref<1x64xf32, #tpu.memory_space<hbm>>) dst(%dma_wait3A_277 : memref<1x64xf32, #tpu.memory_space<vmem>>)
    %dma_wait3A_278 = arith.constant 15 : i32
    %dma_wait3A_279 = arith.constant 0 : i32
    %dma_wait3A_280 = arith.constant 0 : i32
    %dma_wait3A_281 = tpu.memref_slice %arg12[%dma_wait3A_278, %dma_wait3A_279, %dma_wait3A_280] : memref<16x65x64xf32, #tpu.memory_space<vmem>> -> memref<1x1x64xf32, #tpu.memory_space<vmem>>
    %dma_wait3A_282 = tpu.memref_squeeze %dma_wait3A_281 : memref<1x1x64xf32, #tpu.memory_space<vmem>> -> memref<1x64xf32, #tpu.memory_space<vmem>>
    %dma_wait3A_283 = arith.constant 0 : i32
    %dma_wait3A_284 = arith.constant 0 : i32
    %dma_wait3A_285 = tpu.memref_slice %arg12[%dma_wait3A_278, %dma_wait3A_283, %dma_wait3A_284] : memref<16x65x64xf32, #tpu.memory_space<vmem>> -> memref<1x1x64xf32, #tpu.memory_space<vmem>>
    %dma_wait3A_286 = tpu.memref_squeeze %dma_wait3A_285 : memref<1x1x64xf32, #tpu.memory_space<vmem>> -> memref<1x64xf32, #tpu.memory_space<vmem>>
    tpu.wait_dma2 semaphore(%arg14 : memref<!tpu.dma_semaphore, #tpu.memory_space<semaphore_mem>>) src(%arg6 : memref<1x64xf32, #tpu.memory_space<hbm>>) dst(%dma_wait3A_286 : memref<1x64xf32, #tpu.memory_space<vmem>>)
    %iota3A = tpu.iota {dimensions = array<i32: 0>} : vector<16xi32>
    %scan3A = arith.constant 0 : i32
    %scan3A_287 = arith.constant 0 : i32
    %scan3A_288 = arith.constant 2 : i32
    %scan3A_289 = arith.addi %scan3A_287, %scan3A_288 : i32
    %scan3A_290 = arith.constant 1 : i32
    scf.for %scan3A_292 = %scan3A_287 to %scan3A_289 step %scan3A_290  : i32 {
      %mul3A_293 = arith.constant 32 : i32
      %mul3A_294 = arith.muli %add3A, %mul3A_293 : i32
      %mul3A_295 = arith.constant 16 : i32
      %mul3A_296 = arith.muli %scan3A_292, %mul3A_295 : i32
      %add3A_297 = arith.addi %mul3A_294, %mul3A_296 : i32
      %dma_start3A_298 = arith.constant 0 : i32
      %dma_start3A_299 = arith.constant 0 : i32
      %dma_start3A_300 = tpu.memref_slice %arg2[%dma_start3A_298, %dma_start3A_299, %add3A_297] : memref<9x64x1024xi32, #tpu.memory_space<hbm>> -> memref<9x64x16xi32, #tpu.memory_space<hbm>>
      %dma_start3A_301 = arith.constant 0 : i32
      %dma_start3A_302 = arith.constant 0 : i32
      %dma_start3A_303 = tpu.memref_slice %arg2[%dma_start3A_301, %dma_start3A_302, %add3A_297] : memref<9x64x1024xi32, #tpu.memory_space<hbm>> -> memref<9x64x16xi32, #tpu.memory_space<hbm>>
      tpu.enqueue_dma source(%dma_start3A_303 : memref<9x64x16xi32, #tpu.memory_space<hbm>>) target(%arg8 : memref<9x64x16xi32, #tpu.memory_space<vmem>>) target_semaphore(%arg14 : memref<!tpu.dma_semaphore, #tpu.memory_space<semaphore_mem>>)
      %dma_start3A_304 = arith.constant 0 : i32
      %dma_start3A_305 = tpu.memref_slice %arg3[%dma_start3A_304, %add3A_297] : memref<64x1024xi32, #tpu.memory_space<hbm>> -> memref<64x16xi32, #tpu.memory_space<hbm>>
      %dma_start3A_306 = arith.constant 0 : i32
      %dma_start3A_307 = tpu.memref_slice %arg3[%dma_start3A_306, %add3A_297] : memref<64x1024xi32, #tpu.memory_space<hbm>> -> memref<64x16xi32, #tpu.memory_space<hbm>>
      tpu.enqueue_dma source(%dma_start3A_307 : memref<64x16xi32, #tpu.memory_space<hbm>>) target(%arg9 : memref<64x16xi32, #tpu.memory_space<vmem>>) target_semaphore(%arg14 : memref<!tpu.dma_semaphore, #tpu.memory_space<semaphore_mem>>)
      %dma_wait3A_308 = arith.constant 0 : i32
      %dma_wait3A_309 = arith.constant 0 : i32
      %dma_wait3A_310 = tpu.memref_slice %arg2[%dma_wait3A_308, %dma_wait3A_309, %add3A_297] : memref<9x64x1024xi32, #tpu.memory_space<hbm>> -> memref<9x64x16xi32, #tpu.memory_space<hbm>>
      %dma_wait3A_311 = arith.constant 0 : i32
      %dma_wait3A_312 = arith.constant 0 : i32
      %dma_wait3A_313 = tpu.memref_slice %arg2[%dma_wait3A_311, %dma_wait3A_312, %add3A_297] : memref<9x64x1024xi32, #tpu.memory_space<hbm>> -> memref<9x64x16xi32, #tpu.memory_space<hbm>>
      tpu.wait_dma2 semaphore(%arg14 : memref<!tpu.dma_semaphore, #tpu.memory_space<semaphore_mem>>) src(%dma_wait3A_313 : memref<9x64x16xi32, #tpu.memory_space<hbm>>) dst(%arg8 : memref<9x64x16xi32, #tpu.memory_space<vmem>>)
      %dma_wait3A_314 = arith.constant 0 : i32
      %dma_wait3A_315 = tpu.memref_slice %arg3[%dma_wait3A_314, %add3A_297] : memref<64x1024xi32, #tpu.memory_space<hbm>> -> memref<64x16xi32, #tpu.memory_space<hbm>>
      %dma_wait3A_316 = arith.constant 0 : i32
      %dma_wait3A_317 = tpu.memref_slice %arg3[%dma_wait3A_316, %add3A_297] : memref<64x1024xi32, #tpu.memory_space<hbm>> -> memref<64x16xi32, #tpu.memory_space<hbm>>
      tpu.wait_dma2 semaphore(%arg14 : memref<!tpu.dma_semaphore, #tpu.memory_space<semaphore_mem>>) src(%dma_wait3A_317 : memref<64x16xi32, #tpu.memory_space<hbm>>) dst(%arg9 : memref<64x16xi32, #tpu.memory_space<vmem>>)
      %scan3A_318 = arith.constant 0 : i32
      %scan3A_319 = arith.constant 0 : i32
      %scan3A_320 = arith.constant 16 : i32
      %scan3A_321 = arith.addi %scan3A_319, %scan3A_320 : i32
      %scan3A_322 = arith.constant 1 : i32
      scf.for %scan3A_354 = %scan3A_319 to %scan3A_321 step %scan3A_322  : i32 {
        %broadcast_in_dim3A = vector.broadcast %scan3A_354 : i32 to vector<16xi32>
        %add3A_355 = arith.constant 0 : i32
        %add3A_356 = vector.broadcast %add3A_355 : i32 to vector<16xi32>
        %add3A_357 = arith.addi %iota3A, %add3A_356 : vector<16xi32>
        %gather3A = tpu.vector_load_idx %arg9[%add3A_357, %broadcast_in_dim3A] : memref<64x16xi32, #tpu.memory_space<vmem>>[vector<16xi32>, vector<16xi32>], vector<16xi32>,
        %swap3A = arith.index_cast %scan3A_354 : i32 to index
        %swap3A_358 = arith.constant 0 : index
        %swap3A_359 = tpu.vector_load %arg11[%swap3A, %swap3A_358] {strides = array<i32>} : memref<16x64xi32, #tpu.memory_space<vmem>>, vector<16xi32>,
        tpu.vector_store %arg11[%swap3A, %swap3A_358], %gather3A {strides = array<i32>} : memref<16x64xi32, #tpu.memory_space<vmem>>, vector<16xi32>,
        %add3A_360 = arith.constant 16 : i32
        %add3A_361 = vector.broadcast %add3A_360 : i32 to vector<16xi32>
        %add3A_362 = arith.addi %iota3A, %add3A_361 : vector<16xi32>
        %gather3A_363 = tpu.vector_load_idx %arg9[%add3A_362, %broadcast_in_dim3A] : memref<64x16xi32, #tpu.memory_space<vmem>>[vector<16xi32>, vector<16xi32>], vector<16xi32>,
        %swap3A_364 = arith.index_cast %scan3A_354 : i32 to index
        %swap3A_365 = arith.constant 16 : index
        %swap3A_366 = tpu.vector_load %arg11[%swap3A_364, %swap3A_365] {strides = array<i32>} : memref<16x64xi32, #tpu.memory_space<vmem>>, vector<16xi32>,
        tpu.vector_store %arg11[%swap3A_364, %swap3A_365], %gather3A_363 {strides = array<i32>} : memref<16x64xi32, #tpu.memory_space<vmem>>, vector<16xi32>,
        %add3A_367 = arith.constant 32 : i32
        %add3A_368 = vector.broadcast %add3A_367 : i32 to vector<16xi32>
        %add3A_369 = arith.addi %iota3A, %add3A_368 : vector<16xi32>
        %gather3A_370 = tpu.vector_load_idx %arg9[%add3A_369, %broadcast_in_dim3A] : memref<64x16xi32, #tpu.memory_space<vmem>>[vector<16xi32>, vector<16xi32>], vector<16xi32>,
        %swap3A_371 = arith.index_cast %scan3A_354 : i32 to index
        %swap3A_372 = arith.constant 32 : index
        %swap3A_373 = tpu.vector_load %arg11[%swap3A_371, %swap3A_372] {strides = array<i32>} : memref<16x64xi32, #tpu.memory_space<vmem>>, vector<16xi32>,
        tpu.vector_store %arg11[%swap3A_371, %swap3A_372], %gather3A_370 {strides = array<i32>} : memref<16x64xi32, #tpu.memory_space<vmem>>, vector<16xi32>,
        %add3A_374 = arith.constant 48 : i32
        %add3A_375 = vector.broadcast %add3A_374 : i32 to vector<16xi32>
        %add3A_376 = arith.addi %iota3A, %add3A_375 : vector<16xi32>
        %gather3A_377 = tpu.vector_load_idx %arg9[%add3A_376, %broadcast_in_dim3A] : memref<64x16xi32, #tpu.memory_space<vmem>>[vector<16xi32>, vector<16xi32>], vector<16xi32>,
        %swap3A_378 = arith.index_cast %scan3A_354 : i32 to index
        %swap3A_379 = arith.constant 48 : index
        %swap3A_380 = tpu.vector_load %arg11[%swap3A_378, %swap3A_379] {strides = array<i32>} : memref<16x64xi32, #tpu.memory_space<vmem>>, vector<16xi32>,
        tpu.vector_store %arg11[%swap3A_378, %swap3A_379], %gather3A_377 {strides = array<i32>} : memref<16x64xi32, #tpu.memory_space<vmem>>, vector<16xi32>,
      }
      %scan3A_323 = arith.constant 16 : i32
      %scan3A_324 = arith.constant 0 : i32
      %scan3A_325 = arith.constant 0 : i32
      %scan3A_326 = arith.constant 16 : i32
      %scan3A_327 = arith.addi %scan3A_325, %scan3A_326 : i32
      %scan3A_328 = arith.constant 1 : i32
      scf.for %scan3A_354 = %scan3A_325 to %scan3A_327 step %scan3A_328  : i32 {
        %dma_start3A_355 = arith.constant 1 : i32
        %dma_start3A_356 = arith.constant 0 : i32
        %dma_start3A_357 = tpu.memref_slice %arg12[%scan3A_354, %dma_start3A_355, %dma_start3A_356] : memref<16x65x64xf32, #tpu.memory_space<vmem>> -> memref<1x64x64xf32, #tpu.memory_space<vmem>>
        %dma_start3A_358 = tpu.memref_squeeze %dma_start3A_357 : memref<1x64x64xf32, #tpu.memory_space<vmem>> -> memref<64x64xf32, #tpu.memory_space<vmem>>
        %dma_start3A_359 = arith.constant 0 : i32
        %dma_start3A_360 = tpu.memref_slice %arg11[%scan3A_354, %dma_start3A_359] : memref<16x64xi32, #tpu.memory_space<vmem>> -> memref<1x64xi32, #tpu.memory_space<vmem>>
        %dma_start3A_361 = tpu.memref_squeeze %dma_start3A_360 : memref<1x64xi32, #tpu.memory_space<vmem>> -> memref<64xi32, #tpu.memory_space<vmem>>
        %dma_start3A_362 = arith.constant 0 : i32
        %dma_start3A_363 = arith.constant 0 : i32
        %dma_start3A_364 = tpu.memref_slice %arg5[%dma_start3A_362, %dma_start3A_363] : memref<512x64xf32, #tpu.memory_space<hbm>> -> memref<512x64xf32, #tpu.memory_space<hbm>>
        tpu.enqueue_indirect_dma source(%dma_start3A_364 : memref<512x64xf32, #tpu.memory_space<hbm>>) target(%dma_start3A_358 : memref<64x64xf32, #tpu.memory_space<vmem>>) offsets(%dma_start3A_361 : memref<64xi32, #tpu.memory_space<vmem>>) semaphore(%arg13 : memref<!tpu.dma_semaphore, #tpu.memory_space<semaphore_mem>>)
      }
      %scan3A_329 = arith.constant 16 : i32
      %scan3A_330 = arith.constant 0 : i32
      %scan3A_331 = arith.constant 0 : i32
      %scan3A_332 = arith.constant 16 : i32
      %scan3A_333 = arith.addi %scan3A_331, %scan3A_332 : i32
      %scan3A_334 = arith.constant 1 : i32
      scf.for %scan3A_354 = %scan3A_331 to %scan3A_333 step %scan3A_334  : i32 {
        %broadcast_in_dim3A = vector.broadcast %scan3A_354 : i32 to vector<16xi32>
        %broadcast_in_dim3A_355 = arith.constant 0 : i32
        %broadcast_in_dim3A_356 = vector.broadcast %broadcast_in_dim3A_355 : i32 to vector<16xi32>
        %add3A_357 = arith.constant 0 : i32
        %add3A_358 = vector.broadcast %add3A_357 : i32 to vector<16xi32>
        %add3A_359 = arith.addi %iota3A, %add3A_358 : vector<16xi32>
        %gather3A = tpu.vector_load_idx %arg8[%broadcast_in_dim3A_356, %add3A_359, %broadcast_in_dim3A] : memref<9x64x16xi32, #tpu.memory_space<vmem>>[vector<16xi32>, vector<16xi32>, vector<16xi32>], vector<16xi32>,
        %swap3A = arith.constant 0 : i32
        %swap3A_360 = arith.index_cast %scan3A_354 : i32 to index
        %swap3A_361 = arith.index_cast %swap3A : i32 to index
        %swap3A_362 = arith.constant 0 : index
        %swap3A_363 = tpu.vector_load %arg10[%swap3A_360, %swap3A_361, %swap3A_362] {strides = array<i32>} : memref<16x9x64xi32, #tpu.memory_space<vmem>>, vector<16xi32>,
        tpu.vector_store %arg10[%swap3A_360, %swap3A_361, %swap3A_362], %gather3A {strides = array<i32>} : memref<16x9x64xi32, #tpu.memory_space<vmem>>, vector<16xi32>,
        %add3A_364 = arith.constant 16 : i32
        %add3A_365 = vector.broadcast %add3A_364 : i32 to vector<16xi32>
        %add3A_366 = arith.addi %iota3A, %add3A_365 : vector<16xi32>
        %gather3A_367 = tpu.vector_load_idx %arg8[%broadcast_in_dim3A_356, %add3A_366, %broadcast_in_dim3A] : memref<9x64x16xi32, #tpu.memory_space<vmem>>[vector<16xi32>, vector<16xi32>, vector<16xi32>], vector<16xi32>,
        %swap3A_368 = arith.constant 0 : i32
        %swap3A_369 = arith.index_cast %scan3A_354 : i32 to index
        %swap3A_370 = arith.index_cast %swap3A_368 : i32 to index
        %swap3A_371 = arith.constant 16 : index
        %swap3A_372 = tpu.vector_load %arg10[%swap3A_369, %swap3A_370, %swap3A_371] {strides = array<i32>} : memref<16x9x64xi32, #tpu.memory_space<vmem>>, vector<16xi32>,
        tpu.vector_store %arg10[%swap3A_369, %swap3A_370, %swap3A_371], %gather3A_367 {strides = array<i32>} : memref<16x9x64xi32, #tpu.memory_space<vmem>>, vector<16xi32>,
        %add3A_373 = arith.constant 32 : i32
        %add3A_374 = vector.broadcast %add3A_373 : i32 to vector<16xi32>
        %add3A_375 = arith.addi %iota3A, %add3A_374 : vector<16xi32>
        %gather3A_376 = tpu.vector_load_idx %arg8[%broadcast_in_dim3A_356, %add3A_375, %broadcast_in_dim3A] : memref<9x64x16xi32, #tpu.memory_space<vmem>>[vector<16xi32>, vector<16xi32>, vector<16xi32>], vector<16xi32>,
        %swap3A_377 = arith.constant 0 : i32
        %swap3A_378 = arith.index_cast %scan3A_354 : i32 to index
        %swap3A_379 = arith.index_cast %swap3A_377 : i32 to index
        %swap3A_380 = arith.constant 32 : index
        %swap3A_381 = tpu.vector_load %arg10[%swap3A_378, %swap3A_379, %swap3A_380] {strides = array<i32>} : memref<16x9x64xi32, #tpu.memory_space<vmem>>, vector<16xi32>,
        tpu.vector_store %arg10[%swap3A_378, %swap3A_379, %swap3A_380], %gather3A_376 {strides = array<i32>} : memref<16x9x64xi32, #tpu.memory_space<vmem>>, vector<16xi32>,
        %add3A_382 = arith.constant 48 : i32
        %add3A_383 = vector.broadcast %add3A_382 : i32 to vector<16xi32>
        %add3A_384 = arith.addi %iota3A, %add3A_383 : vector<16xi32>
        %gather3A_385 = tpu.vector_load_idx %arg8[%broadcast_in_dim3A_356, %add3A_384, %broadcast_in_dim3A] : memref<9x64x16xi32, #tpu.memory_space<vmem>>[vector<16xi32>, vector<16xi32>, vector<16xi32>], vector<16xi32>,
        %swap3A_386 = arith.constant 0 : i32
        %swap3A_387 = arith.index_cast %scan3A_354 : i32 to index
        %swap3A_388 = arith.index_cast %swap3A_386 : i32 to index
        %swap3A_389 = arith.constant 48 : index
        %swap3A_390 = tpu.vector_load %arg10[%swap3A_387, %swap3A_388, %swap3A_389] {strides = array<i32>} : memref<16x9x64xi32, #tpu.memory_space<vmem>>, vector<16xi32>,
        tpu.vector_store %arg10[%swap3A_387, %swap3A_388, %swap3A_389], %gather3A_385 {strides = array<i32>} : memref<16x9x64xi32, #tpu.memory_space<vmem>>, vector<16xi32>,
        %broadcast_in_dim3A_391 = arith.constant 1 : i32
        %broadcast_in_dim3A_392 = vector.broadcast %broadcast_in_dim3A_391 : i32 to vector<16xi32>
        %add3A_393 = arith.constant 0 : i32
        %add3A_394 = vector.broadcast %add3A_393 : i32 to vector<16xi32>
        %add3A_395 = arith.addi %iota3A, %add3A_394 : vector<16xi32>
        %gather3A_396 = tpu.vector_load_idx %arg8[%broadcast_in_dim3A_392, %add3A_395, %broadcast_in_dim3A] : memref<9x64x16xi32, #tpu.memory_space<vmem>>[vector<16xi32>, vector<16xi32>, vector<16xi32>], vector<16xi32>,
        %swap3A_397 = arith.constant 1 : i32
        %swap3A_398 = arith.index_cast %scan3A_354 : i32 to index
        %swap3A_399 = arith.index_cast %swap3A_397 : i32 to index
        %swap3A_400 = arith.constant 0 : index
        %swap3A_401 = tpu.vector_load %arg10[%swap3A_398, %swap3A_399, %swap3A_400] {strides = array<i32>} : memref<16x9x64xi32, #tpu.memory_space<vmem>>, vector<16xi32>,
        tpu.vector_store %arg10[%swap3A_398, %swap3A_399, %swap3A_400], %gather3A_396 {strides = array<i32>} : memref<16x9x64xi32, #tpu.memory_space<vmem>>, vector<16xi32>,
        %add3A_402 = arith.constant 16 : i32
        %add3A_403 = vector.broadcast %add3A_402 : i32 to vector<16xi32>
        %add3A_404 = arith.addi %iota3A, %add3A_403 : vector<16xi32>
        %gather3A_405 = tpu.vector_load_idx %arg8[%broadcast_in_dim3A_392, %add3A_404, %broadcast_in_dim3A] : memref<9x64x16xi32, #tpu.memory_space<vmem>>[vector<16xi32>, vector<16xi32>, vector<16xi32>], vector<16xi32>,
        %swap3A_406 = arith.constant 1 : i32
        %swap3A_407 = arith.index_cast %scan3A_354 : i32 to index
        %swap3A_408 = arith.index_cast %swap3A_406 : i32 to index
        %swap3A_409 = arith.constant 16 : index
        %swap3A_410 = tpu.vector_load %arg10[%swap3A_407, %swap3A_408, %swap3A_409] {strides = array<i32>} : memref<16x9x64xi32, #tpu.memory_space<vmem>>, vector<16xi32>,
        tpu.vector_store %arg10[%swap3A_407, %swap3A_408, %swap3A_409], %gather3A_405 {strides = array<i32>} : memref<16x9x64xi32, #tpu.memory_space<vmem>>, vector<16xi32>,
        %add3A_411 = arith.constant 32 : i32
        %add3A_412 = vector.broadcast %add3A_411 : i32 to vector<16xi32>
        %add3A_413 = arith.addi %iota3A, %add3A_412 : vector<16xi32>
        %gather3A_414 = tpu.vector_load_idx %arg8[%broadcast_in_dim3A_392, %add3A_413, %broadcast_in_dim3A] : memref<9x64x16xi32, #tpu.memory_space<vmem>>[vector<16xi32>, vector<16xi32>, vector<16xi32>], vector<16xi32>,
        %swap3A_415 = arith.constant 1 : i32
        %swap3A_416 = arith.index_cast %scan3A_354 : i32 to index
        %swap3A_417 = arith.index_cast %swap3A_415 : i32 to index
        %swap3A_418 = arith.constant 32 : index
        %swap3A_419 = tpu.vector_load %arg10[%swap3A_416, %swap3A_417, %swap3A_418] {strides = array<i32>} : memref<16x9x64xi32, #tpu.memory_space<vmem>>, vector<16xi32>,
        tpu.vector_store %arg10[%swap3A_416, %swap3A_417, %swap3A_418], %gather3A_414 {strides = array<i32>} : memref<16x9x64xi32, #tpu.memory_space<vmem>>, vector<16xi32>,
        %add3A_420 = arith.constant 48 : i32
        %add3A_421 = vector.broadcast %add3A_420 : i32 to vector<16xi32>
        %add3A_422 = arith.addi %iota3A, %add3A_421 : vector<16xi32>
        %gather3A_423 = tpu.vector_load_idx %arg8[%broadcast_in_dim3A_392, %add3A_422, %broadcast_in_dim3A] : memref<9x64x16xi32, #tpu.memory_space<vmem>>[vector<16xi32>, vector<16xi32>, vector<16xi32>], vector<16xi32>,
        %swap3A_424 = arith.constant 1 : i32
        %swap3A_425 = arith.index_cast %scan3A_354 : i32 to index
        %swap3A_426 = arith.index_cast %swap3A_424 : i32 to index
        %swap3A_427 = arith.constant 48 : index
        %swap3A_428 = tpu.vector_load %arg10[%swap3A_425, %swap3A_426, %swap3A_427] {strides = array<i32>} : memref<16x9x64xi32, #tpu.memory_space<vmem>>, vector<16xi32>,
        tpu.vector_store %arg10[%swap3A_425, %swap3A_426, %swap3A_427], %gather3A_423 {strides = array<i32>} : memref<16x9x64xi32, #tpu.memory_space<vmem>>, vector<16xi32>,
        %broadcast_in_dim3A_429 = arith.constant 2 : i32
        %broadcast_in_dim3A_430 = vector.broadcast %broadcast_in_dim3A_429 : i32 to vector<16xi32>
        %add3A_431 = arith.constant 0 : i32
        %add3A_432 = vector.broadcast %add3A_431 : i32 to vector<16xi32>
        %add3A_433 = arith.addi %iota3A, %add3A_432 : vector<16xi32>
        %gather3A_434 = tpu.vector_load_idx %arg8[%broadcast_in_dim3A_430, %add3A_433, %broadcast_in_dim3A] : memref<9x64x16xi32, #tpu.memory_space<vmem>>[vector<16xi32>, vector<16xi32>, vector<16xi32>], vector<16xi32>,
        %swap3A_435 = arith.constant 2 : i32
        %swap3A_436 = arith.index_cast %scan3A_354 : i32 to index
        %swap3A_437 = arith.index_cast %swap3A_435 : i32 to index
        %swap3A_438 = arith.constant 0 : index
        %swap3A_439 = tpu.vector_load %arg10[%swap3A_436, %swap3A_437, %swap3A_438] {strides = array<i32>} : memref<16x9x64xi32, #tpu.memory_space<vmem>>, vector<16xi32>,
        tpu.vector_store %arg10[%swap3A_436, %swap3A_437, %swap3A_438], %gather3A_434 {strides = array<i32>} : memref<16x9x64xi32, #tpu.memory_space<vmem>>, vector<16xi32>,
        %add3A_440 = arith.constant 16 : i32
        %add3A_441 = vector.broadcast %add3A_440 : i32 to vector<16xi32>
        %add3A_442 = arith.addi %iota3A, %add3A_441 : vector<16xi32>
        %gather3A_443 = tpu.vector_load_idx %arg8[%broadcast_in_dim3A_430, %add3A_442, %broadcast_in_dim3A] : memref<9x64x16xi32, #tpu.memory_space<vmem>>[vector<16xi32>, vector<16xi32>, vector<16xi32>], vector<16xi32>,
        %swap3A_444 = arith.constant 2 : i32
        %swap3A_445 = arith.index_cast %scan3A_354 : i32 to index
        %swap3A_446 = arith.index_cast %swap3A_444 : i32 to index
        %swap3A_447 = arith.constant 16 : index
        %swap3A_448 = tpu.vector_load %arg10[%swap3A_445, %swap3A_446, %swap3A_447] {strides = array<i32>} : memref<16x9x64xi32, #tpu.memory_space<vmem>>, vector<16xi32>,
        tpu.vector_store %arg10[%swap3A_445, %swap3A_446, %swap3A_447], %gather3A_443 {strides = array<i32>} : memref<16x9x64xi32, #tpu.memory_space<vmem>>, vector<16xi32>,
        %add3A_449 = arith.constant 32 : i32
        %add3A_450 = vector.broadcast %add3A_449 : i32 to vector<16xi32>
        %add3A_451 = arith.addi %iota3A, %add3A_450 : vector<16xi32>
        %gather3A_452 = tpu.vector_load_idx %arg8[%broadcast_in_dim3A_430, %add3A_451, %broadcast_in_dim3A] : memref<9x64x16xi32, #tpu.memory_space<vmem>>[vector<16xi32>, vector<16xi32>, vector<16xi32>], vector<16xi32>,
        %swap3A_453 = arith.constant 2 : i32
        %swap3A_454 = arith.index_cast %scan3A_354 : i32 to index
        %swap3A_455 = arith.index_cast %swap3A_453 : i32 to index
        %swap3A_456 = arith.constant 32 : index
        %swap3A_457 = tpu.vector_load %arg10[%swap3A_454, %swap3A_455, %swap3A_456] {strides = array<i32>} : memref<16x9x64xi32, #tpu.memory_space<vmem>>, vector<16xi32>,
        tpu.vector_store %arg10[%swap3A_454, %swap3A_455, %swap3A_456], %gather3A_452 {strides = array<i32>} : memref<16x9x64xi32, #tpu.memory_space<vmem>>, vector<16xi32>,
        %add3A_458 = arith.constant 48 : i32
        %add3A_459 = vector.broadcast %add3A_458 : i32 to vector<16xi32>
        %add3A_460 = arith.addi %iota3A, %add3A_459 : vector<16xi32>
        %gather3A_461 = tpu.vector_load_idx %arg8[%broadcast_in_dim3A_430, %add3A_460, %broadcast_in_dim3A] : memref<9x64x16xi32, #tpu.memory_space<vmem>>[vector<16xi32>, vector<16xi32>, vector<16xi32>], vector<16xi32>,
        %swap3A_462 = arith.constant 2 : i32
        %swap3A_463 = arith.index_cast %scan3A_354 : i32 to index
        %swap3A_464 = arith.index_cast %swap3A_462 : i32 to index
        %swap3A_465 = arith.constant 48 : index
        %swap3A_466 = tpu.vector_load %arg10[%swap3A_463, %swap3A_464, %swap3A_465] {strides = array<i32>} : memref<16x9x64xi32, #tpu.memory_space<vmem>>, vector<16xi32>,
        tpu.vector_store %arg10[%swap3A_463, %swap3A_464, %swap3A_465], %gather3A_461 {strides = array<i32>} : memref<16x9x64xi32, #tpu.memory_space<vmem>>, vector<16xi32>,
        %broadcast_in_dim3A_467 = arith.constant 3 : i32
        %broadcast_in_dim3A_468 = vector.broadcast %broadcast_in_dim3A_467 : i32 to vector<16xi32>
        %add3A_469 = arith.constant 0 : i32
        %add3A_470 = vector.broadcast %add3A_469 : i32 to vector<16xi32>
        %add3A_471 = arith.addi %iota3A, %add3A_470 : vector<16xi32>
        %gather3A_472 = tpu.vector_load_idx %arg8[%broadcast_in_dim3A_468, %add3A_471, %broadcast_in_dim3A] : memref<9x64x16xi32, #tpu.memory_space<vmem>>[vector<16xi32>, vector<16xi32>, vector<16xi32>], vector<16xi32>,
        %swap3A_473 = arith.constant 3 : i32
        %swap3A_474 = arith.index_cast %scan3A_354 : i32 to index
        %swap3A_475 = arith.index_cast %swap3A_473 : i32 to index
        %swap3A_476 = arith.constant 0 : index
        %swap3A_477 = tpu.vector_load %arg10[%swap3A_474, %swap3A_475, %swap3A_476] {strides = array<i32>} : memref<16x9x64xi32, #tpu.memory_space<vmem>>, vector<16xi32>,
        tpu.vector_store %arg10[%swap3A_474, %swap3A_475, %swap3A_476], %gather3A_472 {strides = array<i32>} : memref<16x9x64xi32, #tpu.memory_space<vmem>>, vector<16xi32>,
        %add3A_478 = arith.constant 16 : i32
        %add3A_479 = vector.broadcast %add3A_478 : i32 to vector<16xi32>
        %add3A_480 = arith.addi %iota3A, %add3A_479 : vector<16xi32>
        %gather3A_481 = tpu.vector_load_idx %arg8[%broadcast_in_dim3A_468, %add3A_480, %broadcast_in_dim3A] : memref<9x64x16xi32, #tpu.memory_space<vmem>>[vector<16xi32>, vector<16xi32>, vector<16xi32>], vector<16xi32>,
        %swap3A_482 = arith.constant 3 : i32
        %swap3A_483 = arith.index_cast %scan3A_354 : i32 to index
        %swap3A_484 = arith.index_cast %swap3A_482 : i32 to index
        %swap3A_485 = arith.constant 16 : index
        %swap3A_486 = tpu.vector_load %arg10[%swap3A_483, %swap3A_484, %swap3A_485] {strides = array<i32>} : memref<16x9x64xi32, #tpu.memory_space<vmem>>, vector<16xi32>,
        tpu.vector_store %arg10[%swap3A_483, %swap3A_484, %swap3A_485], %gather3A_481 {strides = array<i32>} : memref<16x9x64xi32, #tpu.memory_space<vmem>>, vector<16xi32>,
        %add3A_487 = arith.constant 32 : i32
        %add3A_488 = vector.broadcast %add3A_487 : i32 to vector<16xi32>
        %add3A_489 = arith.addi %iota3A, %add3A_488 : vector<16xi32>
        %gather3A_490 = tpu.vector_load_idx %arg8[%broadcast_in_dim3A_468, %add3A_489, %broadcast_in_dim3A] : memref<9x64x16xi32, #tpu.memory_space<vmem>>[vector<16xi32>, vector<16xi32>, vector<16xi32>], vector<16xi32>,
        %swap3A_491 = arith.constant 3 : i32
        %swap3A_492 = arith.index_cast %scan3A_354 : i32 to index
        %swap3A_493 = arith.index_cast %swap3A_491 : i32 to index
        %swap3A_494 = arith.constant 32 : index
        %swap3A_495 = tpu.vector_load %arg10[%swap3A_492, %swap3A_493, %swap3A_494] {strides = array<i32>} : memref<16x9x64xi32, #tpu.memory_space<vmem>>, vector<16xi32>,
        tpu.vector_store %arg10[%swap3A_492, %swap3A_493, %swap3A_494], %gather3A_490 {strides = array<i32>} : memref<16x9x64xi32, #tpu.memory_space<vmem>>, vector<16xi32>,
        %add3A_496 = arith.constant 48 : i32
        %add3A_497 = vector.broadcast %add3A_496 : i32 to vector<16xi32>
        %add3A_498 = arith.addi %iota3A, %add3A_497 : vector<16xi32>
        %gather3A_499 = tpu.vector_load_idx %arg8[%broadcast_in_dim3A_468, %add3A_498, %broadcast_in_dim3A] : memref<9x64x16xi32, #tpu.memory_space<vmem>>[vector<16xi32>, vector<16xi32>, vector<16xi32>], vector<16xi32>,
        %swap3A_500 = arith.constant 3 : i32
        %swap3A_501 = arith.index_cast %scan3A_354 : i32 to index
        %swap3A_502 = arith.index_cast %swap3A_500 : i32 to index
        %swap3A_503 = arith.constant 48 : index
        %swap3A_504 = tpu.vector_load %arg10[%swap3A_501, %swap3A_502, %swap3A_503] {strides = array<i32>} : memref<16x9x64xi32, #tpu.memory_space<vmem>>, vector<16xi32>,
        tpu.vector_store %arg10[%swap3A_501, %swap3A_502, %swap3A_503], %gather3A_499 {strides = array<i32>} : memref<16x9x64xi32, #tpu.memory_space<vmem>>, vector<16xi32>,
        %broadcast_in_dim3A_505 = arith.constant 4 : i32
        %broadcast_in_dim3A_506 = vector.broadcast %broadcast_in_dim3A_505 : i32 to vector<16xi32>
        %add3A_507 = arith.constant 0 : i32
        %add3A_508 = vector.broadcast %add3A_507 : i32 to vector<16xi32>
        %add3A_509 = arith.addi %iota3A, %add3A_508 : vector<16xi32>
        %gather3A_510 = tpu.vector_load_idx %arg8[%broadcast_in_dim3A_506, %add3A_509, %broadcast_in_dim3A] : memref<9x64x16xi32, #tpu.memory_space<vmem>>[vector<16xi32>, vector<16xi32>, vector<16xi32>], vector<16xi32>,
        %swap3A_511 = arith.constant 4 : i32
        %swap3A_512 = arith.index_cast %scan3A_354 : i32 to index
        %swap3A_513 = arith.index_cast %swap3A_511 : i32 to index
        %swap3A_514 = arith.constant 0 : index
        %swap3A_515 = tpu.vector_load %arg10[%swap3A_512, %swap3A_513, %swap3A_514] {strides = array<i32>} : memref<16x9x64xi32, #tpu.memory_space<vmem>>, vector<16xi32>,
        tpu.vector_store %arg10[%swap3A_512, %swap3A_513, %swap3A_514], %gather3A_510 {strides = array<i32>} : memref<16x9x64xi32, #tpu.memory_space<vmem>>, vector<16xi32>,
        %add3A_516 = arith.constant 16 : i32
        %add3A_517 = vector.broadcast %add3A_516 : i32 to vector<16xi32>
        %add3A_518 = arith.addi %iota3A, %add3A_517 : vector<16xi32>
        %gather3A_519 = tpu.vector_load_idx %arg8[%broadcast_in_dim3A_506, %add3A_518, %broadcast_in_dim3A] : memref<9x64x16xi32, #tpu.memory_space<vmem>>[vector<16xi32>, vector<16xi32>, vector<16xi32>], vector<16xi32>,
        %swap3A_520 = arith.constant 4 : i32
        %swap3A_521 = arith.index_cast %scan3A_354 : i32 to index
        %swap3A_522 = arith.index_cast %swap3A_520 : i32 to index
        %swap3A_523 = arith.constant 16 : index
        %swap3A_524 = tpu.vector_load %arg10[%swap3A_521, %swap3A_522, %swap3A_523] {strides = array<i32>} : memref<16x9x64xi32, #tpu.memory_space<vmem>>, vector<16xi32>,
        tpu.vector_store %arg10[%swap3A_521, %swap3A_522, %swap3A_523], %gather3A_519 {strides = array<i32>} : memref<16x9x64xi32, #tpu.memory_space<vmem>>, vector<16xi32>,
        %add3A_525 = arith.constant 32 : i32
        %add3A_526 = vector.broadcast %add3A_525 : i32 to vector<16xi32>
        %add3A_527 = arith.addi %iota3A, %add3A_526 : vector<16xi32>
        %gather3A_528 = tpu.vector_load_idx %arg8[%broadcast_in_dim3A_506, %add3A_527, %broadcast_in_dim3A] : memref<9x64x16xi32, #tpu.memory_space<vmem>>[vector<16xi32>, vector<16xi32>, vector<16xi32>], vector<16xi32>,
        %swap3A_529 = arith.constant 4 : i32
        %swap3A_530 = arith.index_cast %scan3A_354 : i32 to index
        %swap3A_531 = arith.index_cast %swap3A_529 : i32 to index
        %swap3A_532 = arith.constant 32 : index
        %swap3A_533 = tpu.vector_load %arg10[%swap3A_530, %swap3A_531, %swap3A_532] {strides = array<i32>} : memref<16x9x64xi32, #tpu.memory_space<vmem>>, vector<16xi32>,
        tpu.vector_store %arg10[%swap3A_530, %swap3A_531, %swap3A_532], %gather3A_528 {strides = array<i32>} : memref<16x9x64xi32, #tpu.memory_space<vmem>>, vector<16xi32>,
        %add3A_534 = arith.constant 48 : i32
        %add3A_535 = vector.broadcast %add3A_534 : i32 to vector<16xi32>
        %add3A_536 = arith.addi %iota3A, %add3A_535 : vector<16xi32>
        %gather3A_537 = tpu.vector_load_idx %arg8[%broadcast_in_dim3A_506, %add3A_536, %broadcast_in_dim3A] : memref<9x64x16xi32, #tpu.memory_space<vmem>>[vector<16xi32>, vector<16xi32>, vector<16xi32>], vector<16xi32>,
        %swap3A_538 = arith.constant 4 : i32
        %swap3A_539 = arith.index_cast %scan3A_354 : i32 to index
        %swap3A_540 = arith.index_cast %swap3A_538 : i32 to index
        %swap3A_541 = arith.constant 48 : index
        %swap3A_542 = tpu.vector_load %arg10[%swap3A_539, %swap3A_540, %swap3A_541] {strides = array<i32>} : memref<16x9x64xi32, #tpu.memory_space<vmem>>, vector<16xi32>,
        tpu.vector_store %arg10[%swap3A_539, %swap3A_540, %swap3A_541], %gather3A_537 {strides = array<i32>} : memref<16x9x64xi32, #tpu.memory_space<vmem>>, vector<16xi32>,
        %broadcast_in_dim3A_543 = arith.constant 5 : i32
        %broadcast_in_dim3A_544 = vector.broadcast %broadcast_in_dim3A_543 : i32 to vector<16xi32>
        %add3A_545 = arith.constant 0 : i32
        %add3A_546 = vector.broadcast %add3A_545 : i32 to vector<16xi32>
        %add3A_547 = arith.addi %iota3A, %add3A_546 : vector<16xi32>
        %gather3A_548 = tpu.vector_load_idx %arg8[%broadcast_in_dim3A_544, %add3A_547, %broadcast_in_dim3A] : memref<9x64x16xi32, #tpu.memory_space<vmem>>[vector<16xi32>, vector<16xi32>, vector<16xi32>], vector<16xi32>,
        %swap3A_549 = arith.constant 5 : i32
        %swap3A_550 = arith.index_cast %scan3A_354 : i32 to index
        %swap3A_551 = arith.index_cast %swap3A_549 : i32 to index
        %swap3A_552 = arith.constant 0 : index
        %swap3A_553 = tpu.vector_load %arg10[%swap3A_550, %swap3A_551, %swap3A_552] {strides = array<i32>} : memref<16x9x64xi32, #tpu.memory_space<vmem>>, vector<16xi32>,
        tpu.vector_store %arg10[%swap3A_550, %swap3A_551, %swap3A_552], %gather3A_548 {strides = array<i32>} : memref<16x9x64xi32, #tpu.memory_space<vmem>>, vector<16xi32>,
        %add3A_554 = arith.constant 16 : i32
        %add3A_555 = vector.broadcast %add3A_554 : i32 to vector<16xi32>
        %add3A_556 = arith.addi %iota3A, %add3A_555 : vector<16xi32>
        %gather3A_557 = tpu.vector_load_idx %arg8[%broadcast_in_dim3A_544, %add3A_556, %broadcast_in_dim3A] : memref<9x64x16xi32, #tpu.memory_space<vmem>>[vector<16xi32>, vector<16xi32>, vector<16xi32>], vector<16xi32>,
        %swap3A_558 = arith.constant 5 : i32
        %swap3A_559 = arith.index_cast %scan3A_354 : i32 to index
        %swap3A_560 = arith.index_cast %swap3A_558 : i32 to index
        %swap3A_561 = arith.constant 16 : index
        %swap3A_562 = tpu.vector_load %arg10[%swap3A_559, %swap3A_560, %swap3A_561] {strides = array<i32>} : memref<16x9x64xi32, #tpu.memory_space<vmem>>, vector<16xi32>,
        tpu.vector_store %arg10[%swap3A_559, %swap3A_560, %swap3A_561], %gather3A_557 {strides = array<i32>} : memref<16x9x64xi32, #tpu.memory_space<vmem>>, vector<16xi32>,
        %add3A_563 = arith.constant 32 : i32
        %add3A_564 = vector.broadcast %add3A_563 : i32 to vector<16xi32>
        %add3A_565 = arith.addi %iota3A, %add3A_564 : vector<16xi32>
        %gather3A_566 = tpu.vector_load_idx %arg8[%broadcast_in_dim3A_544, %add3A_565, %broadcast_in_dim3A] : memref<9x64x16xi32, #tpu.memory_space<vmem>>[vector<16xi32>, vector<16xi32>, vector<16xi32>], vector<16xi32>,
        %swap3A_567 = arith.constant 5 : i32
        %swap3A_568 = arith.index_cast %scan3A_354 : i32 to index
        %swap3A_569 = arith.index_cast %swap3A_567 : i32 to index
        %swap3A_570 = arith.constant 32 : index
        %swap3A_571 = tpu.vector_load %arg10[%swap3A_568, %swap3A_569, %swap3A_570] {strides = array<i32>} : memref<16x9x64xi32, #tpu.memory_space<vmem>>, vector<16xi32>,
        tpu.vector_store %arg10[%swap3A_568, %swap3A_569, %swap3A_570], %gather3A_566 {strides = array<i32>} : memref<16x9x64xi32, #tpu.memory_space<vmem>>, vector<16xi32>,
        %add3A_572 = arith.constant 48 : i32
        %add3A_573 = vector.broadcast %add3A_572 : i32 to vector<16xi32>
        %add3A_574 = arith.addi %iota3A, %add3A_573 : vector<16xi32>
        %gather3A_575 = tpu.vector_load_idx %arg8[%broadcast_in_dim3A_544, %add3A_574, %broadcast_in_dim3A] : memref<9x64x16xi32, #tpu.memory_space<vmem>>[vector<16xi32>, vector<16xi32>, vector<16xi32>], vector<16xi32>,
        %swap3A_576 = arith.constant 5 : i32
        %swap3A_577 = arith.index_cast %scan3A_354 : i32 to index
        %swap3A_578 = arith.index_cast %swap3A_576 : i32 to index
        %swap3A_579 = arith.constant 48 : index
        %swap3A_580 = tpu.vector_load %arg10[%swap3A_577, %swap3A_578, %swap3A_579] {strides = array<i32>} : memref<16x9x64xi32, #tpu.memory_space<vmem>>, vector<16xi32>,
        tpu.vector_store %arg10[%swap3A_577, %swap3A_578, %swap3A_579], %gather3A_575 {strides = array<i32>} : memref<16x9x64xi32, #tpu.memory_space<vmem>>, vector<16xi32>,
        %broadcast_in_dim3A_581 = arith.constant 6 : i32
        %broadcast_in_dim3A_582 = vector.broadcast %broadcast_in_dim3A_581 : i32 to vector<16xi32>
        %add3A_583 = arith.constant 0 : i32
        %add3A_584 = vector.broadcast %add3A_583 : i32 to vector<16xi32>
        %add3A_585 = arith.addi %iota3A, %add3A_584 : vector<16xi32>
        %gather3A_586 = tpu.vector_load_idx %arg8[%broadcast_in_dim3A_582, %add3A_585, %broadcast_in_dim3A] : memref<9x64x16xi32, #tpu.memory_space<vmem>>[vector<16xi32>, vector<16xi32>, vector<16xi32>], vector<16xi32>,
        %swap3A_587 = arith.constant 6 : i32
        %swap3A_588 = arith.index_cast %scan3A_354 : i32 to index
        %swap3A_589 = arith.index_cast %swap3A_587 : i32 to index
        %swap3A_590 = arith.constant 0 : index
        %swap3A_591 = tpu.vector_load %arg10[%swap3A_588, %swap3A_589, %swap3A_590] {strides = array<i32>} : memref<16x9x64xi32, #tpu.memory_space<vmem>>, vector<16xi32>,
        tpu.vector_store %arg10[%swap3A_588, %swap3A_589, %swap3A_590], %gather3A_586 {strides = array<i32>} : memref<16x9x64xi32, #tpu.memory_space<vmem>>, vector<16xi32>,
        %add3A_592 = arith.constant 16 : i32
        %add3A_593 = vector.broadcast %add3A_592 : i32 to vector<16xi32>
        %add3A_594 = arith.addi %iota3A, %add3A_593 : vector<16xi32>
        %gather3A_595 = tpu.vector_load_idx %arg8[%broadcast_in_dim3A_582, %add3A_594, %broadcast_in_dim3A] : memref<9x64x16xi32, #tpu.memory_space<vmem>>[vector<16xi32>, vector<16xi32>, vector<16xi32>], vector<16xi32>,
        %swap3A_596 = arith.constant 6 : i32
        %swap3A_597 = arith.index_cast %scan3A_354 : i32 to index
        %swap3A_598 = arith.index_cast %swap3A_596 : i32 to index
        %swap3A_599 = arith.constant 16 : index
        %swap3A_600 = tpu.vector_load %arg10[%swap3A_597, %swap3A_598, %swap3A_599] {strides = array<i32>} : memref<16x9x64xi32, #tpu.memory_space<vmem>>, vector<16xi32>,
        tpu.vector_store %arg10[%swap3A_597, %swap3A_598, %swap3A_599], %gather3A_595 {strides = array<i32>} : memref<16x9x64xi32, #tpu.memory_space<vmem>>, vector<16xi32>,
        %add3A_601 = arith.constant 32 : i32
        %add3A_602 = vector.broadcast %add3A_601 : i32 to vector<16xi32>
        %add3A_603 = arith.addi %iota3A, %add3A_602 : vector<16xi32>
        %gather3A_604 = tpu.vector_load_idx %arg8[%broadcast_in_dim3A_582, %add3A_603, %broadcast_in_dim3A] : memref<9x64x16xi32, #tpu.memory_space<vmem>>[vector<16xi32>, vector<16xi32>, vector<16xi32>], vector<16xi32>,
        %swap3A_605 = arith.constant 6 : i32
        %swap3A_606 = arith.index_cast %scan3A_354 : i32 to index
        %swap3A_607 = arith.index_cast %swap3A_605 : i32 to index
        %swap3A_608 = arith.constant 32 : index
        %swap3A_609 = tpu.vector_load %arg10[%swap3A_606, %swap3A_607, %swap3A_608] {strides = array<i32>} : memref<16x9x64xi32, #tpu.memory_space<vmem>>, vector<16xi32>,
        tpu.vector_store %arg10[%swap3A_606, %swap3A_607, %swap3A_608], %gather3A_604 {strides = array<i32>} : memref<16x9x64xi32, #tpu.memory_space<vmem>>, vector<16xi32>,
        %add3A_610 = arith.constant 48 : i32
        %add3A_611 = vector.broadcast %add3A_610 : i32 to vector<16xi32>
        %add3A_612 = arith.addi %iota3A, %add3A_611 : vector<16xi32>
        %gather3A_613 = tpu.vector_load_idx %arg8[%broadcast_in_dim3A_582, %add3A_612, %broadcast_in_dim3A] : memref<9x64x16xi32, #tpu.memory_space<vmem>>[vector<16xi32>, vector<16xi32>, vector<16xi32>], vector<16xi32>,
        %swap3A_614 = arith.constant 6 : i32
        %swap3A_615 = arith.index_cast %scan3A_354 : i32 to index
        %swap3A_616 = arith.index_cast %swap3A_614 : i32 to index
        %swap3A_617 = arith.constant 48 : index
        %swap3A_618 = tpu.vector_load %arg10[%swap3A_615, %swap3A_616, %swap3A_617] {strides = array<i32>} : memref<16x9x64xi32, #tpu.memory_space<vmem>>, vector<16xi32>,
        tpu.vector_store %arg10[%swap3A_615, %swap3A_616, %swap3A_617], %gather3A_613 {strides = array<i32>} : memref<16x9x64xi32, #tpu.memory_space<vmem>>, vector<16xi32>,
        %broadcast_in_dim3A_619 = arith.constant 7 : i32
        %broadcast_in_dim3A_620 = vector.broadcast %broadcast_in_dim3A_619 : i32 to vector<16xi32>
        %add3A_621 = arith.constant 0 : i32
        %add3A_622 = vector.broadcast %add3A_621 : i32 to vector<16xi32>
        %add3A_623 = arith.addi %iota3A, %add3A_622 : vector<16xi32>
        %gather3A_624 = tpu.vector_load_idx %arg8[%broadcast_in_dim3A_620, %add3A_623, %broadcast_in_dim3A] : memref<9x64x16xi32, #tpu.memory_space<vmem>>[vector<16xi32>, vector<16xi32>, vector<16xi32>], vector<16xi32>,
        %swap3A_625 = arith.constant 7 : i32
        %swap3A_626 = arith.index_cast %scan3A_354 : i32 to index
        %swap3A_627 = arith.index_cast %swap3A_625 : i32 to index
        %swap3A_628 = arith.constant 0 : index
        %swap3A_629 = tpu.vector_load %arg10[%swap3A_626, %swap3A_627, %swap3A_628] {strides = array<i32>} : memref<16x9x64xi32, #tpu.memory_space<vmem>>, vector<16xi32>,
        tpu.vector_store %arg10[%swap3A_626, %swap3A_627, %swap3A_628], %gather3A_624 {strides = array<i32>} : memref<16x9x64xi32, #tpu.memory_space<vmem>>, vector<16xi32>,
        %add3A_630 = arith.constant 16 : i32
        %add3A_631 = vector.broadcast %add3A_630 : i32 to vector<16xi32>
        %add3A_632 = arith.addi %iota3A, %add3A_631 : vector<16xi32>
        %gather3A_633 = tpu.vector_load_idx %arg8[%broadcast_in_dim3A_620, %add3A_632, %broadcast_in_dim3A] : memref<9x64x16xi32, #tpu.memory_space<vmem>>[vector<16xi32>, vector<16xi32>, vector<16xi32>], vector<16xi32>,
        %swap3A_634 = arith.constant 7 : i32
        %swap3A_635 = arith.index_cast %scan3A_354 : i32 to index
        %swap3A_636 = arith.index_cast %swap3A_634 : i32 to index
        %swap3A_637 = arith.constant 16 : index
        %swap3A_638 = tpu.vector_load %arg10[%swap3A_635, %swap3A_636, %swap3A_637] {strides = array<i32>} : memref<16x9x64xi32, #tpu.memory_space<vmem>>, vector<16xi32>,
        tpu.vector_store %arg10[%swap3A_635, %swap3A_636, %swap3A_637], %gather3A_633 {strides = array<i32>} : memref<16x9x64xi32, #tpu.memory_space<vmem>>, vector<16xi32>,
        %add3A_639 = arith.constant 32 : i32
        %add3A_640 = vector.broadcast %add3A_639 : i32 to vector<16xi32>
        %add3A_641 = arith.addi %iota3A, %add3A_640 : vector<16xi32>
        %gather3A_642 = tpu.vector_load_idx %arg8[%broadcast_in_dim3A_620, %add3A_641, %broadcast_in_dim3A] : memref<9x64x16xi32, #tpu.memory_space<vmem>>[vector<16xi32>, vector<16xi32>, vector<16xi32>], vector<16xi32>,
        %swap3A_643 = arith.constant 7 : i32
        %swap3A_644 = arith.index_cast %scan3A_354 : i32 to index
        %swap3A_645 = arith.index_cast %swap3A_643 : i32 to index
        %swap3A_646 = arith.constant 32 : index
        %swap3A_647 = tpu.vector_load %arg10[%swap3A_644, %swap3A_645, %swap3A_646] {strides = array<i32>} : memref<16x9x64xi32, #tpu.memory_space<vmem>>, vector<16xi32>,
        tpu.vector_store %arg10[%swap3A_644, %swap3A_645, %swap3A_646], %gather3A_642 {strides = array<i32>} : memref<16x9x64xi32, #tpu.memory_space<vmem>>, vector<16xi32>,
        %add3A_648 = arith.constant 48 : i32
        %add3A_649 = vector.broadcast %add3A_648 : i32 to vector<16xi32>
        %add3A_650 = arith.addi %iota3A, %add3A_649 : vector<16xi32>
        %gather3A_651 = tpu.vector_load_idx %arg8[%broadcast_in_dim3A_620, %add3A_650, %broadcast_in_dim3A] : memref<9x64x16xi32, #tpu.memory_space<vmem>>[vector<16xi32>, vector<16xi32>, vector<16xi32>], vector<16xi32>,
        %swap3A_652 = arith.constant 7 : i32
        %swap3A_653 = arith.index_cast %scan3A_354 : i32 to index
        %swap3A_654 = arith.index_cast %swap3A_652 : i32 to index
        %swap3A_655 = arith.constant 48 : index
        %swap3A_656 = tpu.vector_load %arg10[%swap3A_653, %swap3A_654, %swap3A_655] {strides = array<i32>} : memref<16x9x64xi32, #tpu.memory_space<vmem>>, vector<16xi32>,
        tpu.vector_store %arg10[%swap3A_653, %swap3A_654, %swap3A_655], %gather3A_651 {strides = array<i32>} : memref<16x9x64xi32, #tpu.memory_space<vmem>>, vector<16xi32>,
        %broadcast_in_dim3A_657 = arith.constant 8 : i32
        %broadcast_in_dim3A_658 = vector.broadcast %broadcast_in_dim3A_657 : i32 to vector<16xi32>
        %add3A_659 = arith.constant 0 : i32
        %add3A_660 = vector.broadcast %add3A_659 : i32 to vector<16xi32>
        %add3A_661 = arith.addi %iota3A, %add3A_660 : vector<16xi32>
        %gather3A_662 = tpu.vector_load_idx %arg8[%broadcast_in_dim3A_658, %add3A_661, %broadcast_in_dim3A] : memref<9x64x16xi32, #tpu.memory_space<vmem>>[vector<16xi32>, vector<16xi32>, vector<16xi32>], vector<16xi32>,
        %swap3A_663 = arith.constant 8 : i32
        %swap3A_664 = arith.index_cast %scan3A_354 : i32 to index
        %swap3A_665 = arith.index_cast %swap3A_663 : i32 to index
        %swap3A_666 = arith.constant 0 : index
        %swap3A_667 = tpu.vector_load %arg10[%swap3A_664, %swap3A_665, %swap3A_666] {strides = array<i32>} : memref<16x9x64xi32, #tpu.memory_space<vmem>>, vector<16xi32>,
        tpu.vector_store %arg10[%swap3A_664, %swap3A_665, %swap3A_666], %gather3A_662 {strides = array<i32>} : memref<16x9x64xi32, #tpu.memory_space<vmem>>, vector<16xi32>,
        %add3A_668 = arith.constant 16 : i32
        %add3A_669 = vector.broadcast %add3A_668 : i32 to vector<16xi32>
        %add3A_670 = arith.addi %iota3A, %add3A_669 : vector<16xi32>
        %gather3A_671 = tpu.vector_load_idx %arg8[%broadcast_in_dim3A_658, %add3A_670, %broadcast_in_dim3A] : memref<9x64x16xi32, #tpu.memory_space<vmem>>[vector<16xi32>, vector<16xi32>, vector<16xi32>], vector<16xi32>,
        %swap3A_672 = arith.constant 8 : i32
        %swap3A_673 = arith.index_cast %scan3A_354 : i32 to index
        %swap3A_674 = arith.index_cast %swap3A_672 : i32 to index
        %swap3A_675 = arith.constant 16 : index
        %swap3A_676 = tpu.vector_load %arg10[%swap3A_673, %swap3A_674, %swap3A_675] {strides = array<i32>} : memref<16x9x64xi32, #tpu.memory_space<vmem>>, vector<16xi32>,
        tpu.vector_store %arg10[%swap3A_673, %swap3A_674, %swap3A_675], %gather3A_671 {strides = array<i32>} : memref<16x9x64xi32, #tpu.memory_space<vmem>>, vector<16xi32>,
        %add3A_677 = arith.constant 32 : i32
        %add3A_678 = vector.broadcast %add3A_677 : i32 to vector<16xi32>
        %add3A_679 = arith.addi %iota3A, %add3A_678 : vector<16xi32>
        %gather3A_680 = tpu.vector_load_idx %arg8[%broadcast_in_dim3A_658, %add3A_679, %broadcast_in_dim3A] : memref<9x64x16xi32, #tpu.memory_space<vmem>>[vector<16xi32>, vector<16xi32>, vector<16xi32>], vector<16xi32>,
        %swap3A_681 = arith.constant 8 : i32
        %swap3A_682 = arith.index_cast %scan3A_354 : i32 to index
        %swap3A_683 = arith.index_cast %swap3A_681 : i32 to index
        %swap3A_684 = arith.constant 32 : index
        %swap3A_685 = tpu.vector_load %arg10[%swap3A_682, %swap3A_683, %swap3A_684] {strides = array<i32>} : memref<16x9x64xi32, #tpu.memory_space<vmem>>, vector<16xi32>,
        tpu.vector_store %arg10[%swap3A_682, %swap3A_683, %swap3A_684], %gather3A_680 {strides = array<i32>} : memref<16x9x64xi32, #tpu.memory_space<vmem>>, vector<16xi32>,
        %add3A_686 = arith.constant 48 : i32
        %add3A_687 = vector.broadcast %add3A_686 : i32 to vector<16xi32>
        %add3A_688 = arith.addi %iota3A, %add3A_687 : vector<16xi32>
        %gather3A_689 = tpu.vector_load_idx %arg8[%broadcast_in_dim3A_658, %add3A_688, %broadcast_in_dim3A] : memref<9x64x16xi32, #tpu.memory_space<vmem>>[vector<16xi32>, vector<16xi32>, vector<16xi32>], vector<16xi32>,
        %swap3A_690 = arith.constant 8 : i32
        %swap3A_691 = arith.index_cast %scan3A_354 : i32 to index
        %swap3A_692 = arith.index_cast %swap3A_690 : i32 to index
        %swap3A_693 = arith.constant 48 : index
        %swap3A_694 = tpu.vector_load %arg10[%swap3A_691, %swap3A_692, %swap3A_693] {strides = array<i32>} : memref<16x9x64xi32, #tpu.memory_space<vmem>>, vector<16xi32>,
        tpu.vector_store %arg10[%swap3A_691, %swap3A_692, %swap3A_693], %gather3A_689 {strides = array<i32>} : memref<16x9x64xi32, #tpu.memory_space<vmem>>, vector<16xi32>,
      }
      %scan3A_335 = arith.constant 16 : i32
      %scan3A_336 = arith.constant 0 : i32
      %scan3A_337 = arith.constant 0 : i32
      %scan3A_338 = arith.constant 16 : i32
      %scan3A_339 = arith.addi %scan3A_337, %scan3A_338 : i32
      %scan3A_340 = arith.constant 1 : i32
      scf.for %scan3A_354 = %scan3A_337 to %scan3A_339 step %scan3A_340  : i32 {
        %dma_wait3A_355 = arith.constant 1 : i32
        %dma_wait3A_356 = arith.constant 0 : i32
        %dma_wait3A_357 = tpu.memref_slice %arg12[%scan3A_354, %dma_wait3A_355, %dma_wait3A_356] : memref<16x65x64xf32, #tpu.memory_space<vmem>> -> memref<1x64x64xf32, #tpu.memory_space<vmem>>
        %dma_wait3A_358 = tpu.memref_squeeze %dma_wait3A_357 : memref<1x64x64xf32, #tpu.memory_space<vmem>> -> memref<64x64xf32, #tpu.memory_space<vmem>>
        %dma_wait3A_359 = arith.constant 0 : i32
        %dma_wait3A_360 = tpu.memref_slice %arg11[%scan3A_354, %dma_wait3A_359] : memref<16x64xi32, #tpu.memory_space<vmem>> -> memref<1x64xi32, #tpu.memory_space<vmem>>
        %dma_wait3A_361 = tpu.memref_squeeze %dma_wait3A_360 : memref<1x64xi32, #tpu.memory_space<vmem>> -> memref<64xi32, #tpu.memory_space<vmem>>
        %dma_wait3A_362 = arith.constant 0 : i32
        %dma_wait3A_363 = arith.constant 0 : i32
        %dma_wait3A_364 = tpu.memref_slice %arg5[%dma_wait3A_362, %dma_wait3A_363] : memref<512x64xf32, #tpu.memory_space<hbm>> -> memref<512x64xf32, #tpu.memory_space<hbm>>
        tpu.wait_indirect_dma semaphore(%arg13 : memref<!tpu.dma_semaphore, #tpu.memory_space<semaphore_mem>>) src(%dma_wait3A_364 : memref<512x64xf32, #tpu.memory_space<hbm>>) dst(%dma_wait3A_358 : memref<64x64xf32, #tpu.memory_space<vmem>>)
      }
      %scan3A_341 = arith.constant 16 : i32
      %scan3A_342 = arith.constant 0 : i32
      %scan3A_343 = arith.constant 0 : i32
      %scan3A_344 = arith.constant 16 : i32
      %scan3A_345 = arith.addi %scan3A_343, %scan3A_344 : i32
      %scan3A_346 = arith.constant 1 : i32
      scf.for %scan3A_354 = %scan3A_343 to %scan3A_345 step %scan3A_346  : i32 {
        %dma_start3A_355 = arith.constant 0 : i32
        %dma_start3A_356 = arith.constant 1 : i32
        %dma_start3A_357 = arith.constant 0 : i32
        %dma_start3A_358 = tpu.memref_slice %arg12[%scan3A_354, %dma_start3A_356, %dma_start3A_357] : memref<16x65x64xf32, #tpu.memory_space<vmem>> -> memref<1x64x64xf32, #tpu.memory_space<vmem>>
        %dma_start3A_359 = tpu.memref_squeeze %dma_start3A_358 : memref<1x64x64xf32, #tpu.memory_space<vmem>> -> memref<64x64xf32, #tpu.memory_space<vmem>>
        %dma_start3A_360 = arith.constant 0 : i32
        %dma_start3A_361 = tpu.memref_slice %arg10[%scan3A_354, %dma_start3A_355, %dma_start3A_360] : memref<16x9x64xi32, #tpu.memory_space<vmem>> -> memref<1x1x64xi32, #tpu.memory_space<vmem>>
        %dma_start3A_362 = tpu.memref_squeeze %dma_start3A_361 : memref<1x1x64xi32, #tpu.memory_space<vmem>> -> memref<64xi32, #tpu.memory_space<vmem>>
        %dma_start3A_363 = arith.constant 0 : i32
        %dma_start3A_364 = arith.constant 0 : i32
        %dma_start3A_365 = tpu.memref_slice %arg4[%dma_start3A_363, %dma_start3A_364] : memref<100000x64xf32, #tpu.memory_space<hbm>> -> memref<100000x64xf32, #tpu.memory_space<hbm>>
        tpu.enqueue_indirect_dma source(%dma_start3A_365 : memref<100000x64xf32, #tpu.memory_space<hbm>>) target(%dma_start3A_359 : memref<64x64xf32, #tpu.memory_space<vmem>>) offsets(%dma_start3A_362 : memref<64xi32, #tpu.memory_space<vmem>>) semaphore(%arg13 : memref<!tpu.dma_semaphore, #tpu.memory_space<semaphore_mem>>) {add = true}
        %dma_start3A_366 = arith.constant 1 : i32
        %dma_start3A_367 = arith.constant 1 : i32
        %dma_start3A_368 = arith.constant 0 : i32
        %dma_start3A_369 = tpu.memref_slice %arg12[%scan3A_354, %dma_start3A_367, %dma_start3A_368] : memref<16x65x64xf32, #tpu.memory_space<vmem>> -> memref<1x64x64xf32, #tpu.memory_space<vmem>>
        %dma_start3A_370 = tpu.memref_squeeze %dma_start3A_369 : memref<1x64x64xf32, #tpu.memory_space<vmem>> -> memref<64x64xf32, #tpu.memory_space<vmem>>
        %dma_start3A_371 = arith.constant 0 : i32
        %dma_start3A_372 = tpu.memref_slice %arg10[%scan3A_354, %dma_start3A_366, %dma_start3A_371] : memref<16x9x64xi32, #tpu.memory_space<vmem>> -> memref<1x1x64xi32, #tpu.memory_space<vmem>>
        %dma_start3A_373 = tpu.memref_squeeze %dma_start3A_372 : memref<1x1x64xi32, #tpu.memory_space<vmem>> -> memref<64xi32, #tpu.memory_space<vmem>>
        %dma_start3A_374 = arith.constant 0 : i32
        %dma_start3A_375 = arith.constant 0 : i32
        %dma_start3A_376 = tpu.memref_slice %arg4[%dma_start3A_374, %dma_start3A_375] : memref<100000x64xf32, #tpu.memory_space<hbm>> -> memref<100000x64xf32, #tpu.memory_space<hbm>>
        tpu.enqueue_indirect_dma source(%dma_start3A_376 : memref<100000x64xf32, #tpu.memory_space<hbm>>) target(%dma_start3A_370 : memref<64x64xf32, #tpu.memory_space<vmem>>) offsets(%dma_start3A_373 : memref<64xi32, #tpu.memory_space<vmem>>) semaphore(%arg13 : memref<!tpu.dma_semaphore, #tpu.memory_space<semaphore_mem>>) {add = true}
        %dma_start3A_377 = arith.constant 2 : i32
        %dma_start3A_378 = arith.constant 1 : i32
        %dma_start3A_379 = arith.constant 0 : i32
        %dma_start3A_380 = tpu.memref_slice %arg12[%scan3A_354, %dma_start3A_378, %dma_start3A_379] : memref<16x65x64xf32, #tpu.memory_space<vmem>> -> memref<1x64x64xf32, #tpu.memory_space<vmem>>
        %dma_start3A_381 = tpu.memref_squeeze %dma_start3A_380 : memref<1x64x64xf32, #tpu.memory_space<vmem>> -> memref<64x64xf32, #tpu.memory_space<vmem>>
        %dma_start3A_382 = arith.constant 0 : i32
        %dma_start3A_383 = tpu.memref_slice %arg10[%scan3A_354, %dma_start3A_377, %dma_start3A_382] : memref<16x9x64xi32, #tpu.memory_space<vmem>> -> memref<1x1x64xi32, #tpu.memory_space<vmem>>
        %dma_start3A_384 = tpu.memref_squeeze %dma_start3A_383 : memref<1x1x64xi32, #tpu.memory_space<vmem>> -> memref<64xi32, #tpu.memory_space<vmem>>
        %dma_start3A_385 = arith.constant 0 : i32
        %dma_start3A_386 = arith.constant 0 : i32
        %dma_start3A_387 = tpu.memref_slice %arg4[%dma_start3A_385, %dma_start3A_386] : memref<100000x64xf32, #tpu.memory_space<hbm>> -> memref<100000x64xf32, #tpu.memory_space<hbm>>
        tpu.enqueue_indirect_dma source(%dma_start3A_387 : memref<100000x64xf32, #tpu.memory_space<hbm>>) target(%dma_start3A_381 : memref<64x64xf32, #tpu.memory_space<vmem>>) offsets(%dma_start3A_384 : memref<64xi32, #tpu.memory_space<vmem>>) semaphore(%arg13 : memref<!tpu.dma_semaphore, #tpu.memory_space<semaphore_mem>>) {add = true}
        %dma_start3A_388 = arith.constant 3 : i32
        %dma_start3A_389 = arith.constant 1 : i32
        %dma_start3A_390 = arith.constant 0 : i32
        %dma_start3A_391 = tpu.memref_slice %arg12[%scan3A_354, %dma_start3A_389, %dma_start3A_390] : memref<16x65x64xf32, #tpu.memory_space<vmem>> -> memref<1x64x64xf32, #tpu.memory_space<vmem>>
        %dma_start3A_392 = tpu.memref_squeeze %dma_start3A_391 : memref<1x64x64xf32, #tpu.memory_space<vmem>> -> memref<64x64xf32, #tpu.memory_space<vmem>>
        %dma_start3A_393 = arith.constant 0 : i32
        %dma_start3A_394 = tpu.memref_slice %arg10[%scan3A_354, %dma_start3A_388, %dma_start3A_393] : memref<16x9x64xi32, #tpu.memory_space<vmem>> -> memref<1x1x64xi32, #tpu.memory_space<vmem>>
        %dma_start3A_395 = tpu.memref_squeeze %dma_start3A_394 : memref<1x1x64xi32, #tpu.memory_space<vmem>> -> memref<64xi32, #tpu.memory_space<vmem>>
        %dma_start3A_396 = arith.constant 0 : i32
        %dma_start3A_397 = arith.constant 0 : i32
        %dma_start3A_398 = tpu.memref_slice %arg4[%dma_start3A_396, %dma_start3A_397] : memref<100000x64xf32, #tpu.memory_space<hbm>> -> memref<100000x64xf32, #tpu.memory_space<hbm>>
        tpu.enqueue_indirect_dma source(%dma_start3A_398 : memref<100000x64xf32, #tpu.memory_space<hbm>>) target(%dma_start3A_392 : memref<64x64xf32, #tpu.memory_space<vmem>>) offsets(%dma_start3A_395 : memref<64xi32, #tpu.memory_space<vmem>>) semaphore(%arg13 : memref<!tpu.dma_semaphore, #tpu.memory_space<semaphore_mem>>) {add = true}
        %dma_start3A_399 = arith.constant 4 : i32
        %dma_start3A_400 = arith.constant 1 : i32
        %dma_start3A_401 = arith.constant 0 : i32
        %dma_start3A_402 = tpu.memref_slice %arg12[%scan3A_354, %dma_start3A_400, %dma_start3A_401] : memref<16x65x64xf32, #tpu.memory_space<vmem>> -> memref<1x64x64xf32, #tpu.memory_space<vmem>>
        %dma_start3A_403 = tpu.memref_squeeze %dma_start3A_402 : memref<1x64x64xf32, #tpu.memory_space<vmem>> -> memref<64x64xf32, #tpu.memory_space<vmem>>
        %dma_start3A_404 = arith.constant 0 : i32
        %dma_start3A_405 = tpu.memref_slice %arg10[%scan3A_354, %dma_start3A_399, %dma_start3A_404] : memref<16x9x64xi32, #tpu.memory_space<vmem>> -> memref<1x1x64xi32, #tpu.memory_space<vmem>>
        %dma_start3A_406 = tpu.memref_squeeze %dma_start3A_405 : memref<1x1x64xi32, #tpu.memory_space<vmem>> -> memref<64xi32, #tpu.memory_space<vmem>>
        %dma_start3A_407 = arith.constant 0 : i32
        %dma_start3A_408 = arith.constant 0 : i32
        %dma_start3A_409 = tpu.memref_slice %arg4[%dma_start3A_407, %dma_start3A_408] : memref<100000x64xf32, #tpu.memory_space<hbm>> -> memref<100000x64xf32, #tpu.memory_space<hbm>>
        tpu.enqueue_indirect_dma source(%dma_start3A_409 : memref<100000x64xf32, #tpu.memory_space<hbm>>) target(%dma_start3A_403 : memref<64x64xf32, #tpu.memory_space<vmem>>) offsets(%dma_start3A_406 : memref<64xi32, #tpu.memory_space<vmem>>) semaphore(%arg13 : memref<!tpu.dma_semaphore, #tpu.memory_space<semaphore_mem>>) {add = true}
        %dma_start3A_410 = arith.constant 5 : i32
        %dma_start3A_411 = arith.constant 1 : i32
        %dma_start3A_412 = arith.constant 0 : i32
        %dma_start3A_413 = tpu.memref_slice %arg12[%scan3A_354, %dma_start3A_411, %dma_start3A_412] : memref<16x65x64xf32, #tpu.memory_space<vmem>> -> memref<1x64x64xf32, #tpu.memory_space<vmem>>
        %dma_start3A_414 = tpu.memref_squeeze %dma_start3A_413 : memref<1x64x64xf32, #tpu.memory_space<vmem>> -> memref<64x64xf32, #tpu.memory_space<vmem>>
        %dma_start3A_415 = arith.constant 0 : i32
        %dma_start3A_416 = tpu.memref_slice %arg10[%scan3A_354, %dma_start3A_410, %dma_start3A_415] : memref<16x9x64xi32, #tpu.memory_space<vmem>> -> memref<1x1x64xi32, #tpu.memory_space<vmem>>
        %dma_start3A_417 = tpu.memref_squeeze %dma_start3A_416 : memref<1x1x64xi32, #tpu.memory_space<vmem>> -> memref<64xi32, #tpu.memory_space<vmem>>
        %dma_start3A_418 = arith.constant 0 : i32
        %dma_start3A_419 = arith.constant 0 : i32
        %dma_start3A_420 = tpu.memref_slice %arg4[%dma_start3A_418, %dma_start3A_419] : memref<100000x64xf32, #tpu.memory_space<hbm>> -> memref<100000x64xf32, #tpu.memory_space<hbm>>
        tpu.enqueue_indirect_dma source(%dma_start3A_420 : memref<100000x64xf32, #tpu.memory_space<hbm>>) target(%dma_start3A_414 : memref<64x64xf32, #tpu.memory_space<vmem>>) offsets(%dma_start3A_417 : memref<64xi32, #tpu.memory_space<vmem>>) semaphore(%arg13 : memref<!tpu.dma_semaphore, #tpu.memory_space<semaphore_mem>>) {add = true}
        %dma_start3A_421 = arith.constant 6 : i32
        %dma_start3A_422 = arith.constant 1 : i32
        %dma_start3A_423 = arith.constant 0 : i32
        %dma_start3A_424 = tpu.memref_slice %arg12[%scan3A_354, %dma_start3A_422, %dma_start3A_423] : memref<16x65x64xf32, #tpu.memory_space<vmem>> -> memref<1x64x64xf32, #tpu.memory_space<vmem>>
        %dma_start3A_425 = tpu.memref_squeeze %dma_start3A_424 : memref<1x64x64xf32, #tpu.memory_space<vmem>> -> memref<64x64xf32, #tpu.memory_space<vmem>>
        %dma_start3A_426 = arith.constant 0 : i32
        %dma_start3A_427 = tpu.memref_slice %arg10[%scan3A_354, %dma_start3A_421, %dma_start3A_426] : memref<16x9x64xi32, #tpu.memory_space<vmem>> -> memref<1x1x64xi32, #tpu.memory_space<vmem>>
        %dma_start3A_428 = tpu.memref_squeeze %dma_start3A_427 : memref<1x1x64xi32, #tpu.memory_space<vmem>> -> memref<64xi32, #tpu.memory_space<vmem>>
        %dma_start3A_429 = arith.constant 0 : i32
        %dma_start3A_430 = arith.constant 0 : i32
        %dma_start3A_431 = tpu.memref_slice %arg4[%dma_start3A_429, %dma_start3A_430] : memref<100000x64xf32, #tpu.memory_space<hbm>> -> memref<100000x64xf32, #tpu.memory_space<hbm>>
        tpu.enqueue_indirect_dma source(%dma_start3A_431 : memref<100000x64xf32, #tpu.memory_space<hbm>>) target(%dma_start3A_425 : memref<64x64xf32, #tpu.memory_space<vmem>>) offsets(%dma_start3A_428 : memref<64xi32, #tpu.memory_space<vmem>>) semaphore(%arg13 : memref<!tpu.dma_semaphore, #tpu.memory_space<semaphore_mem>>) {add = true}
        %dma_start3A_432 = arith.constant 7 : i32
        %dma_start3A_433 = arith.constant 1 : i32
        %dma_start3A_434 = arith.constant 0 : i32
        %dma_start3A_435 = tpu.memref_slice %arg12[%scan3A_354, %dma_start3A_433, %dma_start3A_434] : memref<16x65x64xf32, #tpu.memory_space<vmem>> -> memref<1x64x64xf32, #tpu.memory_space<vmem>>
        %dma_start3A_436 = tpu.memref_squeeze %dma_start3A_435 : memref<1x64x64xf32, #tpu.memory_space<vmem>> -> memref<64x64xf32, #tpu.memory_space<vmem>>
        %dma_start3A_437 = arith.constant 0 : i32
        %dma_start3A_438 = tpu.memref_slice %arg10[%scan3A_354, %dma_start3A_432, %dma_start3A_437] : memref<16x9x64xi32, #tpu.memory_space<vmem>> -> memref<1x1x64xi32, #tpu.memory_space<vmem>>
        %dma_start3A_439 = tpu.memref_squeeze %dma_start3A_438 : memref<1x1x64xi32, #tpu.memory_space<vmem>> -> memref<64xi32, #tpu.memory_space<vmem>>
        %dma_start3A_440 = arith.constant 0 : i32
        %dma_start3A_441 = arith.constant 0 : i32
        %dma_start3A_442 = tpu.memref_slice %arg4[%dma_start3A_440, %dma_start3A_441] : memref<100000x64xf32, #tpu.memory_space<hbm>> -> memref<100000x64xf32, #tpu.memory_space<hbm>>
        tpu.enqueue_indirect_dma source(%dma_start3A_442 : memref<100000x64xf32, #tpu.memory_space<hbm>>) target(%dma_start3A_436 : memref<64x64xf32, #tpu.memory_space<vmem>>) offsets(%dma_start3A_439 : memref<64xi32, #tpu.memory_space<vmem>>) semaphore(%arg13 : memref<!tpu.dma_semaphore, #tpu.memory_space<semaphore_mem>>) {add = true}
        %dma_start3A_443 = arith.constant 8 : i32
        %dma_start3A_444 = arith.constant 1 : i32
        %dma_start3A_445 = arith.constant 0 : i32
        %dma_start3A_446 = tpu.memref_slice %arg12[%scan3A_354, %dma_start3A_444, %dma_start3A_445] : memref<16x65x64xf32, #tpu.memory_space<vmem>> -> memref<1x64x64xf32, #tpu.memory_space<vmem>>
        %dma_start3A_447 = tpu.memref_squeeze %dma_start3A_446 : memref<1x64x64xf32, #tpu.memory_space<vmem>> -> memref<64x64xf32, #tpu.memory_space<vmem>>
        %dma_start3A_448 = arith.constant 0 : i32
        %dma_start3A_449 = tpu.memref_slice %arg10[%scan3A_354, %dma_start3A_443, %dma_start3A_448] : memref<16x9x64xi32, #tpu.memory_space<vmem>> -> memref<1x1x64xi32, #tpu.memory_space<vmem>>
        %dma_start3A_450 = tpu.memref_squeeze %dma_start3A_449 : memref<1x1x64xi32, #tpu.memory_space<vmem>> -> memref<64xi32, #tpu.memory_space<vmem>>
        %dma_start3A_451 = arith.constant 0 : i32
        %dma_start3A_452 = arith.constant 0 : i32
        %dma_start3A_453 = tpu.memref_slice %arg4[%dma_start3A_451, %dma_start3A_452] : memref<100000x64xf32, #tpu.memory_space<hbm>> -> memref<100000x64xf32, #tpu.memory_space<hbm>>
        tpu.enqueue_indirect_dma source(%dma_start3A_453 : memref<100000x64xf32, #tpu.memory_space<hbm>>) target(%dma_start3A_447 : memref<64x64xf32, #tpu.memory_space<vmem>>) offsets(%dma_start3A_450 : memref<64xi32, #tpu.memory_space<vmem>>) semaphore(%arg13 : memref<!tpu.dma_semaphore, #tpu.memory_space<semaphore_mem>>) {add = true}
      }
      %scan3A_347 = arith.constant 16 : i32
      %scan3A_348 = arith.constant 0 : i32
      %scan3A_349 = arith.constant 0 : i32
      %scan3A_350 = arith.constant 16 : i32
      %scan3A_351 = arith.addi %scan3A_349, %scan3A_350 : i32
      %scan3A_352 = arith.constant 1 : i32
      scf.for %scan3A_354 = %scan3A_349 to %scan3A_351 step %scan3A_352  : i32 {
        %dma_wait3A_355 = arith.constant 0 : i32
        %dma_wait3A_356 = arith.constant 1 : i32
        %dma_wait3A_357 = arith.constant 0 : i32
        %dma_wait3A_358 = tpu.memref_slice %arg12[%scan3A_354, %dma_wait3A_356, %dma_wait3A_357] : memref<16x65x64xf32, #tpu.memory_space<vmem>> -> memref<1x64x64xf32, #tpu.memory_space<vmem>>
        %dma_wait3A_359 = tpu.memref_squeeze %dma_wait3A_358 : memref<1x64x64xf32, #tpu.memory_space<vmem>> -> memref<64x64xf32, #tpu.memory_space<vmem>>
        %dma_wait3A_360 = arith.constant 0 : i32
        %dma_wait3A_361 = tpu.memref_slice %arg10[%scan3A_354, %dma_wait3A_355, %dma_wait3A_360] : memref<16x9x64xi32, #tpu.memory_space<vmem>> -> memref<1x1x64xi32, #tpu.memory_space<vmem>>
        %dma_wait3A_362 = tpu.memref_squeeze %dma_wait3A_361 : memref<1x1x64xi32, #tpu.memory_space<vmem>> -> memref<64xi32, #tpu.memory_space<vmem>>
        %dma_wait3A_363 = arith.constant 0 : i32
        %dma_wait3A_364 = arith.constant 0 : i32
        %dma_wait3A_365 = tpu.memref_slice %arg4[%dma_wait3A_363, %dma_wait3A_364] : memref<100000x64xf32, #tpu.memory_space<hbm>> -> memref<100000x64xf32, #tpu.memory_space<hbm>>
        tpu.wait_indirect_dma semaphore(%arg13 : memref<!tpu.dma_semaphore, #tpu.memory_space<semaphore_mem>>) src(%dma_wait3A_365 : memref<100000x64xf32, #tpu.memory_space<hbm>>) dst(%dma_wait3A_359 : memref<64x64xf32, #tpu.memory_space<vmem>>)
        %dma_wait3A_366 = arith.constant 1 : i32
        %dma_wait3A_367 = arith.constant 1 : i32
        %dma_wait3A_368 = arith.constant 0 : i32
        %dma_wait3A_369 = tpu.memref_slice %arg12[%scan3A_354, %dma_wait3A_367, %dma_wait3A_368] : memref<16x65x64xf32, #tpu.memory_space<vmem>> -> memref<1x64x64xf32, #tpu.memory_space<vmem>>
        %dma_wait3A_370 = tpu.memref_squeeze %dma_wait3A_369 : memref<1x64x64xf32, #tpu.memory_space<vmem>> -> memref<64x64xf32, #tpu.memory_space<vmem>>
        %dma_wait3A_371 = arith.constant 0 : i32
        %dma_wait3A_372 = tpu.memref_slice %arg10[%scan3A_354, %dma_wait3A_366, %dma_wait3A_371] : memref<16x9x64xi32, #tpu.memory_space<vmem>> -> memref<1x1x64xi32, #tpu.memory_space<vmem>>
        %dma_wait3A_373 = tpu.memref_squeeze %dma_wait3A_372 : memref<1x1x64xi32, #tpu.memory_space<vmem>> -> memref<64xi32, #tpu.memory_space<vmem>>
        %dma_wait3A_374 = arith.constant 0 : i32
        %dma_wait3A_375 = arith.constant 0 : i32
        %dma_wait3A_376 = tpu.memref_slice %arg4[%dma_wait3A_374, %dma_wait3A_375] : memref<100000x64xf32, #tpu.memory_space<hbm>> -> memref<100000x64xf32, #tpu.memory_space<hbm>>
        tpu.wait_indirect_dma semaphore(%arg13 : memref<!tpu.dma_semaphore, #tpu.memory_space<semaphore_mem>>) src(%dma_wait3A_376 : memref<100000x64xf32, #tpu.memory_space<hbm>>) dst(%dma_wait3A_370 : memref<64x64xf32, #tpu.memory_space<vmem>>)
        %dma_wait3A_377 = arith.constant 2 : i32
        %dma_wait3A_378 = arith.constant 1 : i32
        %dma_wait3A_379 = arith.constant 0 : i32
        %dma_wait3A_380 = tpu.memref_slice %arg12[%scan3A_354, %dma_wait3A_378, %dma_wait3A_379] : memref<16x65x64xf32, #tpu.memory_space<vmem>> -> memref<1x64x64xf32, #tpu.memory_space<vmem>>
        %dma_wait3A_381 = tpu.memref_squeeze %dma_wait3A_380 : memref<1x64x64xf32, #tpu.memory_space<vmem>> -> memref<64x64xf32, #tpu.memory_space<vmem>>
        %dma_wait3A_382 = arith.constant 0 : i32
        %dma_wait3A_383 = tpu.memref_slice %arg10[%scan3A_354, %dma_wait3A_377, %dma_wait3A_382] : memref<16x9x64xi32, #tpu.memory_space<vmem>> -> memref<1x1x64xi32, #tpu.memory_space<vmem>>
        %dma_wait3A_384 = tpu.memref_squeeze %dma_wait3A_383 : memref<1x1x64xi32, #tpu.memory_space<vmem>> -> memref<64xi32, #tpu.memory_space<vmem>>
        %dma_wait3A_385 = arith.constant 0 : i32
        %dma_wait3A_386 = arith.constant 0 : i32
        %dma_wait3A_387 = tpu.memref_slice %arg4[%dma_wait3A_385, %dma_wait3A_386] : memref<100000x64xf32, #tpu.memory_space<hbm>> -> memref<100000x64xf32, #tpu.memory_space<hbm>>
        tpu.wait_indirect_dma semaphore(%arg13 : memref<!tpu.dma_semaphore, #tpu.memory_space<semaphore_mem>>) src(%dma_wait3A_387 : memref<100000x64xf32, #tpu.memory_space<hbm>>) dst(%dma_wait3A_381 : memref<64x64xf32, #tpu.memory_space<vmem>>)
        %dma_wait3A_388 = arith.constant 3 : i32
        %dma_wait3A_389 = arith.constant 1 : i32
        %dma_wait3A_390 = arith.constant 0 : i32
        %dma_wait3A_391 = tpu.memref_slice %arg12[%scan3A_354, %dma_wait3A_389, %dma_wait3A_390] : memref<16x65x64xf32, #tpu.memory_space<vmem>> -> memref<1x64x64xf32, #tpu.memory_space<vmem>>
        %dma_wait3A_392 = tpu.memref_squeeze %dma_wait3A_391 : memref<1x64x64xf32, #tpu.memory_space<vmem>> -> memref<64x64xf32, #tpu.memory_space<vmem>>
        %dma_wait3A_393 = arith.constant 0 : i32
        %dma_wait3A_394 = tpu.memref_slice %arg10[%scan3A_354, %dma_wait3A_388, %dma_wait3A_393] : memref<16x9x64xi32, #tpu.memory_space<vmem>> -> memref<1x1x64xi32, #tpu.memory_space<vmem>>
        %dma_wait3A_395 = tpu.memref_squeeze %dma_wait3A_394 : memref<1x1x64xi32, #tpu.memory_space<vmem>> -> memref<64xi32, #tpu.memory_space<vmem>>
        %dma_wait3A_396 = arith.constant 0 : i32
        %dma_wait3A_397 = arith.constant 0 : i32
        %dma_wait3A_398 = tpu.memref_slice %arg4[%dma_wait3A_396, %dma_wait3A_397] : memref<100000x64xf32, #tpu.memory_space<hbm>> -> memref<100000x64xf32, #tpu.memory_space<hbm>>
        tpu.wait_indirect_dma semaphore(%arg13 : memref<!tpu.dma_semaphore, #tpu.memory_space<semaphore_mem>>) src(%dma_wait3A_398 : memref<100000x64xf32, #tpu.memory_space<hbm>>) dst(%dma_wait3A_392 : memref<64x64xf32, #tpu.memory_space<vmem>>)
        %dma_wait3A_399 = arith.constant 4 : i32
        %dma_wait3A_400 = arith.constant 1 : i32
        %dma_wait3A_401 = arith.constant 0 : i32
        %dma_wait3A_402 = tpu.memref_slice %arg12[%scan3A_354, %dma_wait3A_400, %dma_wait3A_401] : memref<16x65x64xf32, #tpu.memory_space<vmem>> -> memref<1x64x64xf32, #tpu.memory_space<vmem>>
        %dma_wait3A_403 = tpu.memref_squeeze %dma_wait3A_402 : memref<1x64x64xf32, #tpu.memory_space<vmem>> -> memref<64x64xf32, #tpu.memory_space<vmem>>
        %dma_wait3A_404 = arith.constant 0 : i32
        %dma_wait3A_405 = tpu.memref_slice %arg10[%scan3A_354, %dma_wait3A_399, %dma_wait3A_404] : memref<16x9x64xi32, #tpu.memory_space<vmem>> -> memref<1x1x64xi32, #tpu.memory_space<vmem>>
        %dma_wait3A_406 = tpu.memref_squeeze %dma_wait3A_405 : memref<1x1x64xi32, #tpu.memory_space<vmem>> -> memref<64xi32, #tpu.memory_space<vmem>>
        %dma_wait3A_407 = arith.constant 0 : i32
        %dma_wait3A_408 = arith.constant 0 : i32
        %dma_wait3A_409 = tpu.memref_slice %arg4[%dma_wait3A_407, %dma_wait3A_408] : memref<100000x64xf32, #tpu.memory_space<hbm>> -> memref<100000x64xf32, #tpu.memory_space<hbm>>
        tpu.wait_indirect_dma semaphore(%arg13 : memref<!tpu.dma_semaphore, #tpu.memory_space<semaphore_mem>>) src(%dma_wait3A_409 : memref<100000x64xf32, #tpu.memory_space<hbm>>) dst(%dma_wait3A_403 : memref<64x64xf32, #tpu.memory_space<vmem>>)
        %dma_wait3A_410 = arith.constant 5 : i32
        %dma_wait3A_411 = arith.constant 1 : i32
        %dma_wait3A_412 = arith.constant 0 : i32
        %dma_wait3A_413 = tpu.memref_slice %arg12[%scan3A_354, %dma_wait3A_411, %dma_wait3A_412] : memref<16x65x64xf32, #tpu.memory_space<vmem>> -> memref<1x64x64xf32, #tpu.memory_space<vmem>>
        %dma_wait3A_414 = tpu.memref_squeeze %dma_wait3A_413 : memref<1x64x64xf32, #tpu.memory_space<vmem>> -> memref<64x64xf32, #tpu.memory_space<vmem>>
        %dma_wait3A_415 = arith.constant 0 : i32
        %dma_wait3A_416 = tpu.memref_slice %arg10[%scan3A_354, %dma_wait3A_410, %dma_wait3A_415] : memref<16x9x64xi32, #tpu.memory_space<vmem>> -> memref<1x1x64xi32, #tpu.memory_space<vmem>>
        %dma_wait3A_417 = tpu.memref_squeeze %dma_wait3A_416 : memref<1x1x64xi32, #tpu.memory_space<vmem>> -> memref<64xi32, #tpu.memory_space<vmem>>
        %dma_wait3A_418 = arith.constant 0 : i32
        %dma_wait3A_419 = arith.constant 0 : i32
        %dma_wait3A_420 = tpu.memref_slice %arg4[%dma_wait3A_418, %dma_wait3A_419] : memref<100000x64xf32, #tpu.memory_space<hbm>> -> memref<100000x64xf32, #tpu.memory_space<hbm>>
        tpu.wait_indirect_dma semaphore(%arg13 : memref<!tpu.dma_semaphore, #tpu.memory_space<semaphore_mem>>) src(%dma_wait3A_420 : memref<100000x64xf32, #tpu.memory_space<hbm>>) dst(%dma_wait3A_414 : memref<64x64xf32, #tpu.memory_space<vmem>>)
        %dma_wait3A_421 = arith.constant 6 : i32
        %dma_wait3A_422 = arith.constant 1 : i32
        %dma_wait3A_423 = arith.constant 0 : i32
        %dma_wait3A_424 = tpu.memref_slice %arg12[%scan3A_354, %dma_wait3A_422, %dma_wait3A_423] : memref<16x65x64xf32, #tpu.memory_space<vmem>> -> memref<1x64x64xf32, #tpu.memory_space<vmem>>
        %dma_wait3A_425 = tpu.memref_squeeze %dma_wait3A_424 : memref<1x64x64xf32, #tpu.memory_space<vmem>> -> memref<64x64xf32, #tpu.memory_space<vmem>>
        %dma_wait3A_426 = arith.constant 0 : i32
        %dma_wait3A_427 = tpu.memref_slice %arg10[%scan3A_354, %dma_wait3A_421, %dma_wait3A_426] : memref<16x9x64xi32, #tpu.memory_space<vmem>> -> memref<1x1x64xi32, #tpu.memory_space<vmem>>
        %dma_wait3A_428 = tpu.memref_squeeze %dma_wait3A_427 : memref<1x1x64xi32, #tpu.memory_space<vmem>> -> memref<64xi32, #tpu.memory_space<vmem>>
        %dma_wait3A_429 = arith.constant 0 : i32
        %dma_wait3A_430 = arith.constant 0 : i32
        %dma_wait3A_431 = tpu.memref_slice %arg4[%dma_wait3A_429, %dma_wait3A_430] : memref<100000x64xf32, #tpu.memory_space<hbm>> -> memref<100000x64xf32, #tpu.memory_space<hbm>>
        tpu.wait_indirect_dma semaphore(%arg13 : memref<!tpu.dma_semaphore, #tpu.memory_space<semaphore_mem>>) src(%dma_wait3A_431 : memref<100000x64xf32, #tpu.memory_space<hbm>>) dst(%dma_wait3A_425 : memref<64x64xf32, #tpu.memory_space<vmem>>)
        %dma_wait3A_432 = arith.constant 7 : i32
        %dma_wait3A_433 = arith.constant 1 : i32
        %dma_wait3A_434 = arith.constant 0 : i32
        %dma_wait3A_435 = tpu.memref_slice %arg12[%scan3A_354, %dma_wait3A_433, %dma_wait3A_434] : memref<16x65x64xf32, #tpu.memory_space<vmem>> -> memref<1x64x64xf32, #tpu.memory_space<vmem>>
        %dma_wait3A_436 = tpu.memref_squeeze %dma_wait3A_435 : memref<1x64x64xf32, #tpu.memory_space<vmem>> -> memref<64x64xf32, #tpu.memory_space<vmem>>
        %dma_wait3A_437 = arith.constant 0 : i32
        %dma_wait3A_438 = tpu.memref_slice %arg10[%scan3A_354, %dma_wait3A_432, %dma_wait3A_437] : memref<16x9x64xi32, #tpu.memory_space<vmem>> -> memref<1x1x64xi32, #tpu.memory_space<vmem>>
        %dma_wait3A_439 = tpu.memref_squeeze %dma_wait3A_438 : memref<1x1x64xi32, #tpu.memory_space<vmem>> -> memref<64xi32, #tpu.memory_space<vmem>>
        %dma_wait3A_440 = arith.constant 0 : i32
        %dma_wait3A_441 = arith.constant 0 : i32
        %dma_wait3A_442 = tpu.memref_slice %arg4[%dma_wait3A_440, %dma_wait3A_441] : memref<100000x64xf32, #tpu.memory_space<hbm>> -> memref<100000x64xf32, #tpu.memory_space<hbm>>
        tpu.wait_indirect_dma semaphore(%arg13 : memref<!tpu.dma_semaphore, #tpu.memory_space<semaphore_mem>>) src(%dma_wait3A_442 : memref<100000x64xf32, #tpu.memory_space<hbm>>) dst(%dma_wait3A_436 : memref<64x64xf32, #tpu.memory_space<vmem>>)
        %dma_wait3A_443 = arith.constant 8 : i32
        %dma_wait3A_444 = arith.constant 1 : i32
        %dma_wait3A_445 = arith.constant 0 : i32
        %dma_wait3A_446 = tpu.memref_slice %arg12[%scan3A_354, %dma_wait3A_444, %dma_wait3A_445] : memref<16x65x64xf32, #tpu.memory_space<vmem>> -> memref<1x64x64xf32, #tpu.memory_space<vmem>>
        %dma_wait3A_447 = tpu.memref_squeeze %dma_wait3A_446 : memref<1x64x64xf32, #tpu.memory_space<vmem>> -> memref<64x64xf32, #tpu.memory_space<vmem>>
        %dma_wait3A_448 = arith.constant 0 : i32
        %dma_wait3A_449 = tpu.memref_slice %arg10[%scan3A_354, %dma_wait3A_443, %dma_wait3A_448] : memref<16x9x64xi32, #tpu.memory_space<vmem>> -> memref<1x1x64xi32, #tpu.memory_space<vmem>>
        %dma_wait3A_450 = tpu.memref_squeeze %dma_wait3A_449 : memref<1x1x64xi32, #tpu.memory_space<vmem>> -> memref<64xi32, #tpu.memory_space<vmem>>
        %dma_wait3A_451 = arith.constant 0 : i32
        %dma_wait3A_452 = arith.constant 0 : i32
        %dma_wait3A_453 = tpu.memref_slice %arg4[%dma_wait3A_451, %dma_wait3A_452] : memref<100000x64xf32, #tpu.memory_space<hbm>> -> memref<100000x64xf32, #tpu.memory_space<hbm>>
        tpu.wait_indirect_dma semaphore(%arg13 : memref<!tpu.dma_semaphore, #tpu.memory_space<semaphore_mem>>) src(%dma_wait3A_453 : memref<100000x64xf32, #tpu.memory_space<hbm>>) dst(%dma_wait3A_447 : memref<64x64xf32, #tpu.memory_space<vmem>>)
      }
      %scan3A_353 = arith.constant 16 : i32
      "tpu.region"() ({
        %run_scoped3A = tpu.sem_alloc : memref<!tpu.dma_semaphore, #tpu.memory_space<semaphore_mem>>
        %dma_start3A_354 = arith.constant 0 : i32
        %dma_start3A_355 = arith.constant 0 : i32
        %dma_start3A_356 = tpu.memref_slice %arg7[%add3A_297, %dma_start3A_354, %dma_start3A_355] : memref<1024x65x64xf32, #tpu.memory_space<hbm>> -> memref<16x65x64xf32, #tpu.memory_space<hbm>>
        %dma_start3A_357 = arith.constant 0 : i32
        %dma_start3A_358 = arith.constant 0 : i32
        %dma_start3A_359 = tpu.memref_slice %arg7[%add3A_297, %dma_start3A_357, %dma_start3A_358] : memref<1024x65x64xf32, #tpu.memory_space<hbm>> -> memref<16x65x64xf32, #tpu.memory_space<hbm>>
        tpu.enqueue_dma source(%arg12 : memref<16x65x64xf32, #tpu.memory_space<vmem>>) target(%dma_start3A_359 : memref<16x65x64xf32, #tpu.memory_space<hbm>>) target_semaphore(%run_scoped3A : memref<!tpu.dma_semaphore, #tpu.memory_space<semaphore_mem>>)
        %dma_wait3A_360 = arith.constant 0 : i32
        %dma_wait3A_361 = arith.constant 0 : i32
        %dma_wait3A_362 = tpu.memref_slice %arg7[%add3A_297, %dma_wait3A_360, %dma_wait3A_361] : memref<1024x65x64xf32, #tpu.memory_space<hbm>> -> memref<16x65x64xf32, #tpu.memory_space<hbm>>
        %dma_wait3A_363 = arith.constant 0 : i32
        %dma_wait3A_364 = arith.constant 0 : i32
        %dma_wait3A_365 = tpu.memref_slice %arg7[%add3A_297, %dma_wait3A_363, %dma_wait3A_364] : memref<1024x65x64xf32, #tpu.memory_space<hbm>> -> memref<16x65x64xf32, #tpu.memory_space<hbm>>
        tpu.wait_dma2 semaphore(%run_scoped3A : memref<!tpu.dma_semaphore, #tpu.memory_space<semaphore_mem>>) src(%arg12 : memref<16x65x64xf32, #tpu.memory_space<vmem>>) dst(%dma_wait3A_365 : memref<16x65x64xf32, #tpu.memory_space<hbm>>)
        tpu.yield
      }) : () -> ()
    }
    %scan3A_291 = arith.constant 2 : i32
    return
  }
}

</mosaic_0001>

<sc_bundles>
// kernel: kernel.3.cloned.1.call-start
scs
__scs_entry_jumppad:
0x0: {  	(pc) =	sbr.rel $0x88, $3  }
0x1: {  	(tag) =	ssettag $0x0;
	lr =	simm.s32 $0x1  }
0x2: {  	[smem:$0x3F9C] =	sst lr;
	_ =	strace $0xD0000000  }
0x3: {  	_ = 	snop  }
0x4: {  	_ = 	snop  }
0x5: {  	_ = 	snop  }
0x6: {  	_ = 	snop  }
0x7: {  	_ = 	snop  }
__scs_overlays_trampoline_lowered:
0x8: {  	[smem:$0x3FAB] =	sst s0  }
0x9: {  	[smem:$0x3FAC] =	sst s1  }
0xa: {  	[smem:$0x3FAD] =	sst s2  }
0xb: {  	[smem:$0x3FAE] =	sst s3  }
0xc: {  	[smem:$0x3FAF] =	sst s4  }
0xd: {  	[smem:$0x3FB0] =	sst s5  }
0xe: {  	[smem:$0x3FB1] =	sst s6  }
0xf: {  	[smem:$0x3FB2] =	sst s7  }
0x10: {  	[smem:$0x3FB3] =	sst s8  }
0x11: {  	[smem:$0x3FB4] =	sst s9;
	s0 =	simm.s32 @!p0 $0x0  }
0x12: {  	s1 =	sld [smem:$0x3F9A];
	s0 =	simm.s32 @p0 $0x1  }
0x13: {  	[smem:$0x3FB5] =	sst s0;
	s0 =	simm.s32 @!p1 $0x0  }
0x14: {  	s2 =	sld [smem:$0x3F99];
	s0 =	simm.s32 @p1 $0x1  }
0x15: {  	[smem:$0x3FB6] =	sst s0;
	s0 =	simm.s32 @!p2 $0x0  }
0x16: {  	s3 =	sld [smem:$0x3FDB];
	s0 =	simm.s32 @p2 $0x1  }
0x17: {  	s4 =	simm.s32 $0x1BF5;
	[smem:$0x3FB8] =	sst s0  }
0x18: {  	s0 =	sld [smem:$0x3F9B];
	_ =	swait.ge [sflag:s4], $0x0  }
0x19: {  	s7 =	sld [smem:$0x3F9C]  }
0x1a: {  	s8 =	sadd.s32 $0xFFFFE003, lr  }
0x1b: {  	s9 =	sadd.s32 $0xFFFFFEF7, lr;
	s5 =	simm.s32 $0xFFFFFFFF;
	p2 =	slt.u32 s8, $0xFFFFF086  }
0x1c: {  	p1 =	slt.u32 s9, $0xF7A;
	s5 =	simm.s32 @!p2 $0x0  }
0x1d: {  	s5 =	simm.s32 @p1 $0x1;
	p0 =	seq.s32 s7, s2  }
0x1e: {  	s7 =	smul.u32 @!p0 $0xF7A, s2;
	p2 =	seq.s32 @!p0 s5, $0x0  }
0x1f: {  	s9 =	smul.u32 $0xF7A, s1;
	s8 =	simm.s32 @!p0 $0x1BF5;
	p2 =	por !p2, p0  }
0x20: {  	[sflag:s8] =	ssyncset.s32 @!p0 $0xFFFFF086;
	s6 =	sadd.s32 @!p0 s3, s7;
	s7 =	simm.s32 @!p0 $0x108  }
0x21: {  	s3 =	sadd.s32 s3, s9;
	s6 =	sadd.s32 @!p0 $0x88, s6;
	s7 =	simm.s32 @p2 $0x1082  }
0x22: {  	[simem:s7], [sflag:s8] =	dma.local @!p0 [hbm:s6], $0xF7A  }
0x23: {  	s9 =	sor.u32 $0xD0000000, s2;
	s6 =	simm.s32 $0x108;
	_ =	swait.ge @!p0 [sflag:s8], $0x0  }
0x24: {  	s3 =	sadd.s32 $0x88, s3;
	s6 =	simm.s32 @!p1 $0x1082;
	[sflag:s4] =	ssyncset.s32 $0xFFFFF086  }
0x25: {  	[simem:s6], [sflag:s4] =	dma.local [hbm:s3], $0xF7A  }
0x26: {  	[smem:$0x3F9C] =	sst s1;
	(tag) =	ssettag s2;
	_ =	strace s9  }
0x27: {  	s1 =	sld [smem:$0x3FAC]  }
0x28: {  	s2 =	sld [smem:$0x3FAD]  }
0x29: {  	s4 =	sld [smem:$0x3FAF]  }
0x2a: {  	p0 =	seq.s32 s5, $0x0;
	s5 =	sld [smem:$0x3FB0]  }
0x2b: {  	s6 =	sld [smem:$0x3FB1]  }
0x2c: {  	s7 =	sld [smem:$0x3FB2]  }
0x2d: {  	s3 =	simm.s32 $0x108;
	s8 =	sld [smem:$0x3FB3]  }
0x2e: {  	s3 =	simm.s32 @!p0 $0x1082;
	s9 =	sld [smem:$0x3FB4]  }
0x2f: {  	lr =	sadd.s32 s0, s3;
	s0 =	sld [smem:$0x3FAB]  }
0x30: {  	s3 =	sld [smem:$0x3FAE]  }
0x31: {  	[smem:$0x3FB7] =	sst s10  }
0x32: {  	s10 =	sld [smem:$0x3FB5];
	_ =	sdelay $0x3  }
0x33: {  	p0 =	seq.s32 s10, $0x1;
	s10 =	sld [smem:$0x3FB7];
	_ =	sdelay $0x3  }
0x34: {  	[smem:$0x3FB7] =	sst s10  }
0x35: {  	s10 =	sld [smem:$0x3FB6];
	_ =	sdelay $0x3  }
0x36: {  	p1 =	seq.s32 s10, $0x1;
	s10 =	sld [smem:$0x3FB7];
	_ =	sdelay $0x3  }
0x37: {  	[smem:$0x3FB7] =	sst s10  }
0x38: {  	s10 =	sld [smem:$0x3FB8]  }
0x39: {  	_ = 	snop;
	(pc) =	sbr.ind lr, $3  }
0x3a: {  	_ = 	snop  }
0x3b: {  	_ = 	snop  }
0x3c: {  	p2 =	seq.s32 s10, $0x1;
	s10 =	sld [smem:$0x3FB7]  }
0x3d: {  	_ =	shalt  }
0x3e: {  	_ =	shalt  }
0x3f: {  	_ =	shalt  }
0x40: {  	_ =	shalt  }
0x41: {  	_ =	shalt  }
0x42: {  	_ =	shalt  }
0x43: {  	_ =	shalt  }
0x44: {  	_ =	shalt  }
0x45: {  	_ =	shalt  }
0x46: {  	_ =	shalt  }
0x47: {  	_ =	shalt  }
0x48: {  	_ =	shalt  }
0x49: {  	_ =	shalt  }
0x4a: {  	_ =	shalt  }
0x4b: {  	_ =	shalt  }
0x4c: {  	_ =	shalt  }
0x4d: {  	_ =	shalt  }
0x4e: {  	_ =	shalt  }
0x4f: {  	_ =	shalt  }
0x50: {  	_ =	shalt  }
0x51: {  	_ =	shalt  }
0x52: {  	_ =	shalt  }
0x53: {  	_ =	shalt  }
0x54: {  	_ =	shalt  }
0x55: {  	_ =	shalt  }
0x56: {  	_ =	shalt  }
0x57: {  	_ =	shalt  }
0x58: {  	_ =	shalt  }
0x59: {  	_ =	shalt  }
0x5a: {  	_ =	shalt  }
0x5b: {  	_ =	shalt  }
0x5c: {  	_ =	shalt  }
0x5d: {  	_ =	shalt  }
0x5e: {  	_ =	shalt  }
0x5f: {  	_ =	shalt  }
0x60: {  	_ =	shalt  }
0x61: {  	_ =	shalt  }
0x62: {  	_ =	shalt  }
0x63: {  	_ =	shalt  }
0x64: {  	_ =	shalt  }
0x65: {  	_ =	shalt  }
0x66: {  	_ =	shalt  }
0x67: {  	_ =	shalt  }
0x68: {  	_ =	shalt  }
0x69: {  	_ =	shalt  }
0x6a: {  	_ =	shalt  }
0x6b: {  	_ =	shalt  }
0x6c: {  	_ =	shalt  }
0x6d: {  	_ =	shalt  }
0x6e: {  	_ =	shalt  }
0x6f: {  	_ =	shalt  }
0x70: {  	_ =	shalt  }
0x71: {  	_ =	shalt  }
0x72: {  	_ =	shalt  }
0x73: {  	_ =	shalt  }
0x74: {  	_ =	shalt  }
0x75: {  	_ =	shalt  }
0x76: {  	_ =	shalt  }
0x77: {  	_ =	shalt  }
0x78: {  	_ =	shalt  }
0x79: {  	_ =	shalt  }
0x7a: {  	_ =	shalt  }
0x7b: {  	_ =	shalt  }
0x7c: {  	_ =	shalt  }
0x7d: {  	_ =	shalt  }
0x7e: {  	_ =	shalt  }
0x7f: {  	_ =	shalt  }
0x80: {  	_ =	shalt  }
0x81: {  	_ =	shalt  }
0x82: {  	_ =	shalt  }
0x83: {  	_ =	shalt  }
0x84: {  	_ =	shalt  }
0x85: {  	_ =	shalt  }
0x86: {  	_ =	shalt  }
0x87: {  	_ =	shalt  }
.Lfunc_end0:
.L_simem_size_0:
called_computation_lowered:
.L_overlay_start_0:
0x88: {  	s2 =	sld [smem:$0x3FD9]  }
0x89: {  	s3 =	sld [smem:$0x3FFE];
	_ =	sdelay $0x1  }
0x8a: {  	s1 =	srdreg.scid  }
0x8b: {  	s0 =	sand.u32 $0x1, s1  }
0x8c: {  	s17 =	sshll.u32 s0, $0xA;
	s2 =	sadd.s32 s3, s2  }
0x8d: {  	s2 =	sadd.s32 s2, s17  }
0x8e: {  	[smem:$0x3FC3] =	sst s2  }
0x8f: {  	_ = 	snop  }
0x90: {  	s2 =	sld [smem:$0x3FC5]  }
0x91: {  	s18 =	sld [smem:$0x3FD0];
	(tm) =	ssettm $0x1  }
0x92: {  	s4 =	sld [smem:$0x3FFB];
	_ =	sdelay $0x3  }
0x93: {  	_ =	strace s4  }
0x94: {  	s4 =	sld [smem:$0x3FFC];
	_ =	sdelay $0x3  }
0x95: {  	_ =	strace s4  }
0x96: {  	s4 =	sld [smem:$0x3FFD];
	_ =	sdelay $0x3  }
0x97: {  	_ =	strace s4  }
0x98: {  	_ =	strace $0x8FFFFFFF  }
0x99: {  	s19 =	sld [smem:$0x3FDB];
	_ =	sdelay $0x1  }
0x9a: {  	s5 =	simm.s32 $_scs_section_size  }
0x9b: {  	s6 =	simm.s32 $_size__tile_overlayer_lowered;
	s7 =	simm.s32 $_tile_overlayer_lowered  }
0x9c: {  	s22 =	simm.s32 $0x1BFF;
	s21 =	sshll.u32 s7, $0x1;
	s4 =	sadd.s32 s5, s19  }
0x9d: {  	s8 =	simm.s32 $0x0;
	s20 =	sshll.u32 s6, $0x1;
	s6 =	sadd.s32 s21, s4  }
0x9e: {  	[timem:s8], [sflag:s22] =	dma.local [hbm:s6], s20  }
0x9f: {  	_ =	swait.ge [sflag:s22], s20  }
0xa0: {  	s5 =	ssub.s32 $0x0, s20;
	[sflag:s22] =	ssyncset.done $0x0  }
0xa1: {  	[sflag:s22] =	ssyncadd.s32 s5;
	_ =	sdelay $0x1  }
0xa2: {  	s23 =	simm.s32 $0x1B8B  }
0xa3: {  	_ =	swait.ge [sflag:s23], $0x1  }
0xa4: {  	[sflag:s23] =	ssyncset.done $0x0  }
0xa5: {  	s25 =	simm.s32 $0x1B8E;
	s24 =	sld [smem:$0x3FFE];
	[sflag:s23] =	ssyncadd.s32 $0xFFFFFFFF  }
0xa6: {  	s26 =	simm.s32 $execute0_lowered;
	[smem:$0x3FD2] =	sst s25  }
0xa7: {  	s6 =	sshll.u32 s26, $0x1;
	_ =	strace $0x80000046;
	[dreg:$0x1] =	wrdreg $0xFFFFFFFF  }
0xa8: {  	s28 =	simm.s32 $_size_execute0_lowered;
	s4 =	sadd.s32 s4, s6;
	[dreg:$0x0] =	wrdreg $0x0  }
0xa9: {  	s6 =	sshll.u32 s28, $0x1;
	[dreg:$0x2] =	wrdreg s4  }
0xaa: {  	[dreg:$0x3] =	wrdreg s6  }
0xab: {  	[dreg:$0x4] =	wrdreg $0xC0  }
0xac: {  	_ =	task [dreg:s8], $0x5FFFF  }
0xad: {  	[dreg:$0x1] =	wrdreg $0xFFFFFFFF  }
0xae: {  	[dreg:$0x0] =	wrdreg $0x60  }
0xaf: {  	[dreg:$0x2] =	wrdreg s24  }
0xb0: {  	[dreg:$0x3] =	wrdreg s2  }
0xb1: {  	[dreg:$0x4] =	wrdreg s18  }
0xb2: {  	[dreg:$0x5] =	wrdreg $0x9  }
0xb3: {  	_ =	task.clear_ibuf [dreg:s8], $0x6FFFF;
	_ =	strace $0x90000046  }
0xb4: {  	s29 =	simm.s32 $0x9;
	_ =	strace $0x80000048  }
0xb5: {  	_ =	swait.ge [sflag:s29], $0x1  }
0xb6: {  	[sflag:s29] =	ssyncadd.s32 $0xFFFFFFFF  }
0xb7: {  	_ =	strace $0x90000048  }
0xb8: {  	_ =	sfence  }
0xb9: {  	s30 =	sld [smem:$0x0];
	_ =	sdelay $0x2  }
0xba: {  	s31 =	sshll.u32 s1, $0xD;
	s1 =	sshrl.u32 s1, $0x2  }
0xbb: {  	s3 =	sand.u32 $0x4000, s31;
	s1 =	sadd.s32 s1, s30  }
0xbc: {  	s0 =	sor.u32 s3, s0;
	s1 =	sshll.u32 s1, $0x11  }
0xbd: {  	s0 =	sor.u32 s1, s0  }
0xbe: {  	s0 =	sadd.s32 $0x8F2B, s0  }
0xbf: {  	[sflag:s0] =	ssyncadd.remote.s32 $0x1  }
0xc0: {  	_ =	sfence.sel $0xFFFF  }
0xc1: {  	[dreg:$0x0] =	wrdreg $0xFFFFFFFF;
	(pc) =	sbr.abs _section_cstart, $3  }
0xc2: {  	[dreg:$0x1] =	wrdreg $0xFFFFFFFF  }
0xc3: {  	_ =	task.clear_ibuf [dreg:s8], $0x2FFFF;
	_ =	strace $0x9FFFFFFF  }
0xc4: {  	(tm) =	ssettm $0x7FFFFFFF  }
0xc5: {  	_ =	shalt  }
tec
execute0_lowered:
.L_overlay_start_1:
0x0: {  	(tag) =	ssettag $0x1  }
0x1: {  	v0 =	vlaneseq.u32  }
0x2: {  	v0 =	vmul.u32 $0x10, v0  }
0x3: {  	s0 =	rddreg [dreg:$0x0]  }
0x4: {  	s3 =	simm.s32 $0x0;
	s1 =	srdreg.scid;
	s8 =	stileid.u32;
	v1 =	vor.u32 $0x100, v0;
	v2 =	vor.u32 $0x200, v0  }
0x5: {  	s28 =	simm.s32 $0x2;
	s29 =	simm.s32 $0x10;
	s30 =	simm.s32 $0x400;
	v3 =	vor.u32 $0x300, v0;
	v4 =	vor.u32 $0x400, v0;
	v5 =	vor.u32 $0x500, v0  }
0x6: {  	s31 =	simm.s32 $0x2400;
	s14 =	simm.s32 $0x4EC0;
	s15 =	simm.s32 $0x10300;
	v6 =	vor.u32 $0x600, v0;
	v7 =	vor.u32 $0x700, v0;
	v8 =	vor.u32 $0x800, v0  }
0x7: {  	s11 =	simm.s32 $0x4F00;
	s16 =	simm.s32 $0x11340;
	s17 =	simm.s32 $0x4F40;
	v9 =	vor.u32 $0x900, v0;
	v10 =	vor.u32 $0xA00, v0;
	v11 =	vor.u32 $0xB00, v0  }
0x8: {  	s18 =	simm.s32 $0x12380;
	s19 =	simm.s32 $0x4F80;
	s20 =	simm.s32 $0x133C0;
	v12 =	vor.u32 $0xC00, v0;
	v13 =	vor.u32 $0xD00, v0;
	v14 =	vor.u32 $0xE00, v0  }
0x9: {  	s21 =	simm.s32 $0x4FC0;
	s22 =	simm.s32 $0x14400;
	s23 =	simm.s32 $0x1;
	v15 =	vor.u32 $0xF00, v0;
	v16 =	vor.u32 $0x1000, v0;
	v17 =	vor.u32 $0x1100, v0  }
0xa: {  	s24 =	simm.s32 $0x3;
	[smem:$0x7FF] =	sst s3;
	s1 =	sand.u32 $0x1, s1;
	v18 =	vor.u32 $0x1200, v0;
	v19 =	vor.u32 $0x1300, v0;
	v20 =	vor.u32 $0x1400, v0  }
0xb: {  	s5 =	sadd.s32 $0xA00, s0;
	s6 =	sadd.s32 $0x13A00, s0;
	s2 =	ssub.s32 $0x2, s1;
	v21 =	vor.u32 $0x1500, v0;
	v22 =	vor.u32 $0x1600, v0;
	v23 =	vor.u32 $0x1700, v0  }
0xc: {  	s7 =	sadd.s32 $0x187400, s0;
	s9 =	sshll.u32 s8, $0x6;
	s4 =	sshrl.u32 s2, $0x1;
	v24 =	vor.u32 $0x1800, v0;
	v25 =	vor.u32 $0x1900, v0;
	v26 =	vor.u32 $0x1A00, v0  }
0xd: {  	s8 =	sadd.s32 $0x12A00, s0;
	s1 =	sshll.u32 s1, $0x5;
	v27 =	vor.u32 $0x1B00, v0;
	v28 =	vor.u32 $0x1C00, v0;
	v29 =	vor.u32 $0x1D00, v0;
	s26 =	ssub.s32 s2, s4  }
0xe: {  	_ =	strace $0x80000047;
	s9 =	sor.u32 s1, s9;
	v30 =	vor.u32 $0x1E00, v0;
	v31 =	vor.u32 $0x1F00, v0;
	v32 =	vor.u32 $0x2000, v0;
	s0 =	smax.u32 s26, $0x1  }
0xf: {  	v33 =	vor.u32 $0x2100, v0;
	v34 =	vor.u32 $0x2200, v0;
	v35 =	vor.u32 $0x2300, v0;
	s2 =	simm.s32 $0x0;
	[dreg:$0x4] =	wrdreg s0;
	s0 =	simm.s32 $0x40  }
.LBB2_1:
0x10: {  	s1 =	rddreg [dreg:$0x1];
	s12 =	simm.s32 $0x5000  }
0x11: {  	[tilespmem:s12], [sflag:$0x2] =	stream.linear.gather [hbm4b:s1+s3], $0x40, $0x38;
	[tilespmem:$0x15400] =	vst v63  }
0x12: {  	s13 =	simm.s32 $0x6040  }
0x13: {  	[tilespmem:s13], [sflag:$0x2] =	stream.linear.gather [hbm4b:s1+s3], $0x40, $0x38;
	[tilespmem:$0x15400] =	vst v63  }
0x14: {  	s25 =	simm.s32 $0x7080  }
0x15: {  	[tilespmem:s25], [sflag:$0x2] =	stream.linear.gather [hbm4b:s1+s3], $0x40, $0x38;
	[tilespmem:$0x15400] =	vst v63  }
0x16: {  	s26 =	simm.s32 $0x80C0  }
0x17: {  	[tilespmem:s26], [sflag:$0x2] =	stream.linear.gather [hbm4b:s1+s3], $0x40, $0x38;
	[tilespmem:$0x15400] =	vst v63  }
0x18: {  	s4 =	simm.s32 $0x9100  }
0x19: {  	[tilespmem:s4], [sflag:$0x2] =	stream.linear.gather [hbm4b:s1+s3], $0x40, $0x38;
	[tilespmem:$0x15400] =	vst v63  }
0x1a: {  	s10 =	simm.s32 $0xA140  }
0x1b: {  	[tilespmem:s10], [sflag:$0x2] =	stream.linear.gather [hbm4b:s1+s3], $0x40, $0x38;
	[tilespmem:$0x15400] =	vst v63  }
0x1c: {  	s12 =	simm.s32 $0xB180  }
0x1d: {  	[tilespmem:s12], [sflag:$0x2] =	stream.linear.gather [hbm4b:s1+s3], $0x40, $0x38;
	[tilespmem:$0x15400] =	vst v63  }
0x1e: {  	s13 =	simm.s32 $0xC1C0  }
0x1f: {  	[tilespmem:s13], [sflag:$0x2] =	stream.linear.gather [hbm4b:s1+s3], $0x40, $0x38;
	[tilespmem:$0x15400] =	vst v63  }
0x20: {  	s25 =	simm.s32 $0xD200  }
0x21: {  	[tilespmem:s25], [sflag:$0x2] =	stream.linear.gather [hbm4b:s1+s3], $0x40, $0x38;
	[tilespmem:$0x15400] =	vst v63  }
0x22: {  	s26 =	simm.s32 $0xE240  }
0x23: {  	[tilespmem:s26], [sflag:$0x2] =	stream.linear.gather [hbm4b:s1+s3], $0x40, $0x38;
	[tilespmem:$0x15400] =	vst v63  }
0x24: {  	s4 =	simm.s32 $0xF280  }
0x25: {  	[tilespmem:s4], [sflag:$0x2] =	stream.linear.gather [hbm4b:s1+s3], $0x40, $0x38;
	[tilespmem:$0x15400] =	vst v63  }
0x26: {  	s10 =	simm.s32 $0x102C0  }
0x27: {  	[tilespmem:s10], [sflag:$0x2] =	stream.linear.gather [hbm4b:s1+s3], $0x40, $0x38;
	[tilespmem:$0x15400] =	vst v63  }
0x28: {  	s12 =	simm.s32 $0x11300  }
0x29: {  	[tilespmem:s12], [sflag:$0x2] =	stream.linear.gather [hbm4b:s1+s3], $0x40, $0x38;
	[tilespmem:$0x15400] =	vst v63  }
0x2a: {  	s13 =	simm.s32 $0x12340  }
0x2b: {  	[tilespmem:s13], [sflag:$0x2] =	stream.linear.gather [hbm4b:s1+s3], $0x40, $0x38;
	[tilespmem:$0x15400] =	vst v63  }
0x2c: {  	s25 =	simm.s32 $0x13380  }
0x2d: {  	[tilespmem:s25], [sflag:$0x2] =	stream.linear.gather [hbm4b:s1+s3], $0x40, $0x38;
	[tilespmem:$0x15400] =	vst v63  }
0x2e: {  	[dreg:$0x5] =	wrdreg s2;
	s26 =	simm.s32 $0x143C0  }
0x2f: {  	[tilespmem:s26], [sflag:$0x2] =	stream.linear.gather [hbm4b:s1+s3], $0x40, $0x38;
	[tilespmem:$0x15400] =	vst v63  }
0x30: {  	_ =	swait.ge [sflag:s28], $0x40  }
0x31: {  	[sflag:s28] =	ssyncset.done $0x0  }
0x32: {  	[sflag:s28] =	ssyncadd.s32 $0xFFFFFFC0  }
0x33: {  	_ =	swait.ge [sflag:s28], $0x40  }
0x34: {  	[sflag:s28] =	ssyncset.done $0x0  }
0x35: {  	[sflag:s28] =	ssyncadd.s32 $0xFFFFFFC0  }
0x36: {  	_ =	swait.ge [sflag:s28], $0x40  }
0x37: {  	[sflag:s28] =	ssyncset.done $0x0  }
0x38: {  	[sflag:s28] =	ssyncadd.s32 $0xFFFFFFC0  }
0x39: {  	_ =	swait.ge [sflag:s28], $0x40  }
0x3a: {  	[sflag:s28] =	ssyncset.done $0x0  }
0x3b: {  	[sflag:s28] =	ssyncadd.s32 $0xFFFFFFC0  }
0x3c: {  	_ =	swait.ge [sflag:s28], $0x40  }
0x3d: {  	[sflag:s28] =	ssyncset.done $0x0  }
0x3e: {  	[sflag:s28] =	ssyncadd.s32 $0xFFFFFFC0  }
0x3f: {  	_ =	swait.ge [sflag:s28], $0x40  }
0x40: {  	[sflag:s28] =	ssyncset.done $0x0  }
0x41: {  	[sflag:s28] =	ssyncadd.s32 $0xFFFFFFC0  }
0x42: {  	_ =	swait.ge [sflag:s28], $0x40  }
0x43: {  	[sflag:s28] =	ssyncset.done $0x0  }
0x44: {  	[sflag:s28] =	ssyncadd.s32 $0xFFFFFFC0  }
0x45: {  	_ =	swait.ge [sflag:s28], $0x40  }
0x46: {  	[sflag:s28] =	ssyncset.done $0x0  }
0x47: {  	[sflag:s28] =	ssyncadd.s32 $0xFFFFFFC0  }
0x48: {  	_ =	swait.ge [sflag:s28], $0x40  }
0x49: {  	[sflag:s28] =	ssyncset.done $0x0  }
0x4a: {  	[sflag:s28] =	ssyncadd.s32 $0xFFFFFFC0  }
0x4b: {  	_ =	swait.ge [sflag:s28], $0x40  }
0x4c: {  	[sflag:s28] =	ssyncset.done $0x0  }
0x4d: {  	[sflag:s28] =	ssyncadd.s32 $0xFFFFFFC0  }
0x4e: {  	_ =	swait.ge [sflag:s28], $0x40  }
0x4f: {  	[sflag:s28] =	ssyncset.done $0x0  }
0x50: {  	[sflag:s28] =	ssyncadd.s32 $0xFFFFFFC0  }
0x51: {  	_ =	swait.ge [sflag:s28], $0x40  }
0x52: {  	[sflag:s28] =	ssyncset.done $0x0  }
0x53: {  	[sflag:s28] =	ssyncadd.s32 $0xFFFFFFC0  }
0x54: {  	_ =	swait.ge [sflag:s28], $0x40  }
0x55: {  	[sflag:s28] =	ssyncset.done $0x0  }
0x56: {  	[sflag:s28] =	ssyncadd.s32 $0xFFFFFFC0  }
0x57: {  	_ =	swait.ge [sflag:s28], $0x40  }
0x58: {  	[sflag:s28] =	ssyncset.done $0x0  }
0x59: {  	[sflag:s28] =	ssyncadd.s32 $0xFFFFFFC0  }
0x5a: {  	_ =	swait.ge [sflag:s28], $0x40  }
0x5b: {  	[sflag:s28] =	ssyncset.done $0x0  }
0x5c: {  	[sflag:s28] =	ssyncadd.s32 $0xFFFFFFC0  }
0x5d: {  	_ =	swait.ge [sflag:s28], $0x40  }
0x5e: {  	[sflag:s28] =	ssyncset.done $0x0  }
0x5f: {  	p1 =	por $0x1, $0x1;
	s1 =	simm.s32 $0x0;
	[sflag:s28] =	ssyncadd.s32 $0xFFFFFFC0  }
.LBB2_2:
0x60: {  	s25 =	sor.u32 s9, s1  }
0x61: {  	s1 =	sshrl.u32 s25, $0x3  }
0x62: {  	s4 =	simm.s32 $0x0;
	s2 =	sadd.s32 s5, s1  }
0x63: {  	v36 =	vmov s4;
	[tilespmem:s4], [sflag:$0x2] =	stream.strided.gather [hbm4b:s2+s29], $0x2400, s30, s29, $0x38;
	[tilespmem:$0x15400] =	vst v63  }
0x64: {  	s1 =	sadd.s32 s6, s1;
	v36 =	vand.u32 $0xF, v36  }
0x65: {  	v36 =	vbroadcast v36, $0x0;
	[tilespmem:s31], [sflag:$0x2] =	stream.strided.gather [hbm4b:s1+s29], $0x400, s30, s29, $0x38;
	[tilespmem:$0x15400] =	vst v63  }
0x66: {  	_ =	swait.ge [sflag:s28], $0x2400  }
0x67: {  	v37 =	vor.u32 v0, v36;
	[sflag:s28] =	ssyncset.done $0x0  }
0x68: {  	[sflag:s28] =	ssyncadd.s32 $0xFFFFDC00  }
0x69: {  	_ =	swait.ge [sflag:s28], $0x400  }
0x6a: {  	[sflag:s28] =	ssyncset.done $0x0  }
0x6b: {  	[sflag:s28] =	ssyncadd.s32 $0xFFFFFC00  }
0x6c: {  	v37 =	vld.idx.msk [tilespmem:v37+s31+$0x0], $0xffff  }
0x6d: {  	v38 =	vor.u32 v1, v36;
	_ =	sdelay $0x2  }
0x6e: {  	s10 =	simm.s32 $0x4C20  }
0x6f: {  	[tilespmem:s10+$0xFFFFFFE0] =	vst v37  }
0x70: {  	v37 =	vld.idx.msk [tilespmem:v38+s31+$0x0], $0xffff  }
0x71: {  	v63 =	vor.u32 v2, v36;
	_ =	sdelay $0x3  }
0x72: {  	[tilespmem:s10+$0xFFFFFFF0] =	vst v37  }
0x73: {  	v37 =	vld.idx.msk [tilespmem:v63+s31+$0x0], $0xffff  }
0x74: {  	v36 =	vor.u32 v3, v36;
	_ =	sdelay $0x1  }
0x75: {  	s26 =	simm.s32 $0x1  }
0x76: {  	p0 =	por p1, p1;
	s1 =	simm.s32 $0x2;
	v38 =	vmov s26  }
.LBB2_3:
0x77: {  	p1 =	sne.s32 s1, $0xF;
	v38 =	vand.u32 $0xF, v38;
	[tilespmem:s10+$0x0] =	vst v37  }
0x78: {  	v38 =	vbroadcast v38, $0x0;
	v36 =	vld.idx.msk [tilespmem:v36+s31+$0x0], $0xffff;
	_ =	sdelay $0x1  }
0x79: {  	v37 =	vor.u32 v0, v38;
	_ =	sdelay $0x3  }
0x7a: {  	[tilespmem:s10+$0x10] =	vst v36  }
0x7b: {  	v36 =	vld.idx.msk [tilespmem:v37+s31+$0x0], $0xffff;
	_ =	sdelay $0x1  }
0x7c: {  	v37 =	vor.u32 v1, v38;
	_ =	sdelay $0x2  }
0x7d: {  	s10 =	sadd.s32 $0x40, s10  }
0x7e: {  	[tilespmem:s10+$0xFFFFFFE0] =	vst v36  }
0x7f: {  	v36 =	vld.idx.msk [tilespmem:v37+s31+$0x0], $0xffff;
	_ =	sdelay $0x1  }
0x80: {  	v37 =	vor.u32 v2, v38;
	_ =	sdelay $0x3  }
0x81: {  	[tilespmem:s10+$0xFFFFFFF0] =	vst v36  }
0x82: {  	v37 =	vld.idx.msk [tilespmem:v37+s31+$0x0], $0xffff  }
.Ltmp0:
0x83: {  	(pc) =	sbr.rel @p1 .LBB2_3-.Ltmp0, $2  }
0x84: {  	v36 =	vor.u32 v3, v38;
	_ =	sdelay $0x2  }
0x85: {  	v38 =	vmov s1;
	s1 =	sadd.s32 $0x1, s1  }
0x86: {  	_ =	sdelay $0x1  }
0x87: {  	v38 =	vand.u32 $0xF, v38  }
0x88: {  	[tilespmem:s10+$0x0] =	vst v37;
	v49 =	vbroadcast v38, $0x0  }
0x89: {  	v36 =	vld.idx.msk [tilespmem:v36+s31+$0x0], $0xffff  }
0x8a: {  	v38 =	vor.u32 v0, v49;
	_ =	sdelay $0x3  }
0x8b: {  	[tilespmem:s10+$0x10] =	vst v36  }
0x8c: {  	v36 =	vld.idx.msk [tilespmem:v38+s31+$0x0], $0xffff  }
0x8d: {  	v50 =	vor.u32 v1, v49;
	_ =	sdelay $0x2  }
0x8e: {  	s1 =	sadd.s32 $0x40, s10  }
0x8f: {  	[tilespmem:s1+$0xFFFFFFE0] =	vst v36  }
0x90: {  	v36 =	vld.idx.msk [tilespmem:v50+s31+$0x0], $0xffff  }
0x91: {  	v51 =	vor.u32 v2, v49;
	_ =	sdelay $0x3  }
0x92: {  	[tilespmem:s1+$0xFFFFFFF0] =	vst v36  }
0x93: {  	v36 =	vld.idx.msk [tilespmem:v51+s31+$0x0], $0xffff  }
0x94: {  	v37 =	vor.u32 v3, v49;
	_ =	sdelay $0x3  }
0x95: {  	[tilespmem:s1+$0x0] =	vst v36  }
0x96: {  	v36 =	vld.idx.msk [tilespmem:v37+s31+$0x0], $0xffff;
	_ =	sdelay $0x4  }
0x97: {  	s26 =	simm.s32 $0x4C00;
	s2 =	simm.s32 $0x5040;
	[tilespmem:s1+$0x10] =	vst v36  }
0x98: {  	[tilespmem:s2], [sflag:$0x1] =	stream.indirect.gather [hbm4b:s8+s0], $0x40, s26, s0, $0xb8;
	[tilespmem:$0x15400] =	vst v63  }
0x99: {  	s4 =	simm.s32 $0x6080;
	s2 =	simm.s32 $0x4C40  }
0x9a: {  	[tilespmem:s4], [sflag:$0x1] =	stream.indirect.gather [hbm4b:s8+s0], $0x40, s2, s0, $0xb8;
	[tilespmem:$0x15400] =	vst v63  }
0x9b: {  	s12 =	simm.s32 $0x70C0;
	s10 =	simm.s32 $0x4C80  }
0x9c: {  	[tilespmem:s12], [sflag:$0x1] =	stream.indirect.gather [hbm4b:s8+s0], $0x40, s10, s0, $0xb8;
	[tilespmem:$0x15400] =	vst v63  }
0x9d: {  	s13 =	simm.s32 $0x4CC0;
	s26 =	simm.s32 $0x8100  }
0x9e: {  	[tilespmem:s26], [sflag:$0x1] =	stream.indirect.gather [hbm4b:s8+s0], $0x40, s13, s0, $0xb8;
	[tilespmem:$0x15400] =	vst v63  }
0x9f: {  	s2 =	simm.s32 $0x4D00;
	s4 =	simm.s32 $0x9140  }
0xa0: {  	[tilespmem:s4], [sflag:$0x1] =	stream.indirect.gather [hbm4b:s8+s0], $0x40, s2, s0, $0xb8;
	[tilespmem:$0x15400] =	vst v63  }
0xa1: {  	s10 =	simm.s32 $0x4D40;
	s12 =	simm.s32 $0xA180  }
0xa2: {  	[tilespmem:s12], [sflag:$0x1] =	stream.indirect.gather [hbm4b:s8+s0], $0x40, s10, s0, $0xb8;
	[tilespmem:$0x15400] =	vst v63  }
0xa3: {  	s13 =	simm.s32 $0x4D80;
	s26 =	simm.s32 $0xB1C0  }
0xa4: {  	[tilespmem:s26], [sflag:$0x1] =	stream.indirect.gather [hbm4b:s8+s0], $0x40, s13, s0, $0xb8;
	[tilespmem:$0x15400] =	vst v63  }
0xa5: {  	s2 =	simm.s32 $0x4DC0;
	s4 =	simm.s32 $0xC200  }
0xa6: {  	[tilespmem:s4], [sflag:$0x1] =	stream.indirect.gather [hbm4b:s8+s0], $0x40, s2, s0, $0xb8;
	[tilespmem:$0x15400] =	vst v63  }
0xa7: {  	s10 =	simm.s32 $0x4E00;
	s12 =	simm.s32 $0xD240  }
0xa8: {  	[tilespmem:s12], [sflag:$0x1] =	stream.indirect.gather [hbm4b:s8+s0], $0x40, s10, s0, $0xb8;
	[tilespmem:$0x15400] =	vst v63  }
0xa9: {  	s13 =	simm.s32 $0x4E40;
	s26 =	simm.s32 $0xE280  }
0xaa: {  	[tilespmem:s26], [sflag:$0x1] =	stream.indirect.gather [hbm4b:s8+s0], $0x40, s13, s0, $0xb8;
	[tilespmem:$0x15400] =	vst v63  }
0xab: {  	s4 =	simm.s32 $0x4E80;
	s10 =	simm.s32 $0xF2C0  }
0xac: {  	[tilespmem:s10], [sflag:$0x1] =	stream.indirect.gather [hbm4b:s8+s0], $0x40, s4, s0, $0xb8;
	[tilespmem:$0x15400] =	vst v63  }
0xad: {  	s12 =	simm.s32 $0x0  }
0xae: {  	v52 =	vmov s12;
	[tilespmem:s15], [sflag:$0x1] =	stream.indirect.gather [hbm4b:s8+s0], $0x40, s14, s0, $0xb8;
	[tilespmem:$0x15400] =	vst v63  }
0xaf: {  	v36 =	vand.u32 $0xF, v52  }
0xb0: {  	v36 =	vbroadcast v36, $0x0;
	[tilespmem:s16], [sflag:$0x1] =	stream.indirect.gather [hbm4b:s8+s0], $0x40, s11, s0, $0xb8;
	[tilespmem:$0x15400] =	vst v63  }
0xb1: {  	_ = 	snop  }
0xb2: {  	v53 =	vor.u32 v0, v36;
	[tilespmem:s18], [sflag:$0x1] =	stream.indirect.gather [hbm4b:s8+s0], $0x40, s17, s0, $0xb8;
	[tilespmem:$0x15400] =	vst v63  }
0xb3: {  	_ = 	snop  }
0xb4: {  	[tilespmem:s20], [sflag:$0x1] =	stream.indirect.gather [hbm4b:s8+s0], $0x40, s19, s0, $0xb8;
	[tilespmem:$0x15400] =	vst v63  }
0xb5: {  	_ = 	snop  }
0xb6: {  	[tilespmem:s22], [sflag:$0x1] =	stream.indirect.gather [hbm4b:s8+s0], $0x40, s21, s0, $0xb8;
	[tilespmem:$0x15400] =	vst v63  }
0xb7: {  	v37 =	vld.idx.msk [tilespmem:v53+s3+$0x0], $0xffff  }
0xb8: {  	v54 =	vor.u32 v1, v36;
	_ =	sdelay $0x2  }
0xb9: {  	s26 =	simm.s32 $0x2920  }
0xba: {  	[tilespmem:s26+$0xFFFFFEE0] =	vst v37  }
0xbb: {  	v37 =	vld.idx.msk [tilespmem:v54+s3+$0x0], $0xffff  }
0xbc: {  	v55 =	vor.u32 v2, v36;
	_ =	sdelay $0x3  }
0xbd: {  	[tilespmem:s26+$0xFFFFFEF0] =	vst v37  }
0xbe: {  	v37 =	vld.idx.msk [tilespmem:v55+s3+$0x0], $0xffff  }
0xbf: {  	v56 =	vor.u32 v3, v36;
	_ =	sdelay $0x3  }
0xc0: {  	[tilespmem:s26+$0xFFFFFF00] =	vst v37  }
0xc1: {  	v37 =	vld.idx.msk [tilespmem:v56+s3+$0x0], $0xffff  }
0xc2: {  	v57 =	vor.u32 v4, v36;
	_ =	sdelay $0x3  }
0xc3: {  	[tilespmem:s26+$0xFFFFFF10] =	vst v37  }
0xc4: {  	v37 =	vld.idx.msk [tilespmem:v57+s3+$0x0], $0xffff  }
0xc5: {  	v58 =	vor.u32 v5, v36;
	_ =	sdelay $0x3  }
0xc6: {  	[tilespmem:s26+$0xFFFFFF20] =	vst v37  }
0xc7: {  	v37 =	vld.idx.msk [tilespmem:v58+s3+$0x0], $0xffff  }
0xc8: {  	v59 =	vor.u32 v6, v36;
	_ =	sdelay $0x3  }
0xc9: {  	[tilespmem:s26+$0xFFFFFF30] =	vst v37  }
0xca: {  	v37 =	vld.idx.msk [tilespmem:v59+s3+$0x0], $0xffff  }
0xcb: {  	v60 =	vor.u32 v7, v36;
	_ =	sdelay $0x3  }
0xcc: {  	[tilespmem:s26+$0xFFFFFF40] =	vst v37  }
0xcd: {  	v37 =	vld.idx.msk [tilespmem:v60+s3+$0x0], $0xffff  }
0xce: {  	v61 =	vor.u32 v8, v36;
	_ =	sdelay $0x3  }
0xcf: {  	[tilespmem:s26+$0xFFFFFF50] =	vst v37  }
0xd0: {  	v37 =	vld.idx.msk [tilespmem:v61+s3+$0x0], $0xffff  }
0xd1: {  	v62 =	vor.u32 v9, v36;
	_ =	sdelay $0x3  }
0xd2: {  	[tilespmem:s26+$0xFFFFFF60] =	vst v37  }
0xd3: {  	v37 =	vld.idx.msk [tilespmem:v62+s3+$0x0], $0xffff  }
0xd4: {  	v63 =	vor.u32 v10, v36;
	_ =	sdelay $0x3  }
0xd5: {  	[tilespmem:s26+$0xFFFFFF70] =	vst v37  }
0xd6: {  	v37 =	vld.idx.msk [tilespmem:v63+s3+$0x0], $0xffff  }
0xd7: {  	v40 =	vor.u32 v11, v36;
	_ =	sdelay $0x3  }
0xd8: {  	[tilespmem:s26+$0xFFFFFF80] =	vst v37  }
0xd9: {  	v37 =	vld.idx.msk [tilespmem:v40+s3+$0x0], $0xffff  }
0xda: {  	v41 =	vor.u32 v12, v36;
	_ =	sdelay $0x3  }
0xdb: {  	[tilespmem:s26+$0xFFFFFF90] =	vst v37  }
0xdc: {  	v37 =	vld.idx.msk [tilespmem:v41+s3+$0x0], $0xffff  }
0xdd: {  	v42 =	vor.u32 v13, v36;
	_ =	sdelay $0x3  }
0xde: {  	[tilespmem:s26+$0xFFFFFFA0] =	vst v37  }
0xdf: {  	v37 =	vld.idx.msk [tilespmem:v42+s3+$0x0], $0xffff  }
0xe0: {  	v43 =	vor.u32 v14, v36;
	_ =	sdelay $0x3  }
0xe1: {  	[tilespmem:s26+$0xFFFFFFB0] =	vst v37  }
0xe2: {  	v37 =	vld.idx.msk [tilespmem:v43+s3+$0x0], $0xffff  }
0xe3: {  	v44 =	vor.u32 v15, v36;
	_ =	sdelay $0x3  }
0xe4: {  	[tilespmem:s26+$0xFFFFFFC0] =	vst v37  }
0xe5: {  	v37 =	vld.idx.msk [tilespmem:v44+s3+$0x0], $0xffff  }
0xe6: {  	v45 =	vor.u32 v16, v36;
	_ =	sdelay $0x3  }
0xe7: {  	[tilespmem:s26+$0xFFFFFFD0] =	vst v37  }
0xe8: {  	v37 =	vld.idx.msk [tilespmem:v45+s3+$0x0], $0xffff  }
0xe9: {  	v46 =	vor.u32 v17, v36;
	_ =	sdelay $0x3  }
0xea: {  	[tilespmem:s26+$0xFFFFFFE0] =	vst v37  }
0xeb: {  	v37 =	vld.idx.msk [tilespmem:v46+s3+$0x0], $0xffff  }
0xec: {  	v47 =	vor.u32 v18, v36;
	_ =	sdelay $0x3  }
0xed: {  	[tilespmem:s26+$0xFFFFFFF0] =	vst v37  }
0xee: {  	v37 =	vld.idx.msk [tilespmem:v47+s3+$0x0], $0xffff  }
0xef: {  	v48 =	vor.u32 v19, v36;
	_ =	sdelay $0x3  }
0xf0: {  	[tilespmem:s26+$0x0] =	vst v37  }
0xf1: {  	v37 =	vld.idx.msk [tilespmem:v48+s3+$0x0], $0xffff  }
0xf2: {  	v49 =	vor.u32 v20, v36;
	_ =	sdelay $0x3  }
0xf3: {  	[tilespmem:s26+$0x10] =	vst v37  }
0xf4: {  	v37 =	vld.idx.msk [tilespmem:v49+s3+$0x0], $0xffff  }
0xf5: {  	v50 =	vor.u32 v21, v36;
	_ =	sdelay $0x3  }
0xf6: {  	[tilespmem:s26+$0x20] =	vst v37  }
0xf7: {  	v37 =	vld.idx.msk [tilespmem:v50+s3+$0x0], $0xffff  }
0xf8: {  	v51 =	vor.u32 v22, v36;
	_ =	sdelay $0x3  }
0xf9: {  	[tilespmem:s26+$0x30] =	vst v37  }
0xfa: {  	v37 =	vld.idx.msk [tilespmem:v51+s3+$0x0], $0xffff  }
0xfb: {  	v52 =	vor.u32 v23, v36;
	_ =	sdelay $0x3  }
0xfc: {  	[tilespmem:s26+$0x40] =	vst v37  }
0xfd: {  	v37 =	vld.idx.msk [tilespmem:v52+s3+$0x0], $0xffff  }
0xfe: {  	v53 =	vor.u32 v24, v36;
	_ =	sdelay $0x3  }
0xff: {  	[tilespmem:s26+$0x50] =	vst v37  }
0x100: {  	v37 =	vld.idx.msk [tilespmem:v53+s3+$0x0], $0xffff  }
0x101: {  	v54 =	vor.u32 v25, v36;
	_ =	sdelay $0x3  }
0x102: {  	[tilespmem:s26+$0x60] =	vst v37  }
0x103: {  	v37 =	vld.idx.msk [tilespmem:v54+s3+$0x0], $0xffff  }
0x104: {  	v55 =	vor.u32 v26, v36;
	_ =	sdelay $0x3  }
0x105: {  	[tilespmem:s26+$0x70] =	vst v37  }
0x106: {  	v37 =	vld.idx.msk [tilespmem:v55+s3+$0x0], $0xffff  }
0x107: {  	v56 =	vor.u32 v27, v36;
	_ =	sdelay $0x3  }
0x108: {  	[tilespmem:s26+$0x80] =	vst v37  }
0x109: {  	v37 =	vld.idx.msk [tilespmem:v56+s3+$0x0], $0xffff  }
0x10a: {  	v57 =	vor.u32 v28, v36;
	_ =	sdelay $0x3  }
0x10b: {  	[tilespmem:s26+$0x90] =	vst v37  }
0x10c: {  	v37 =	vld.idx.msk [tilespmem:v57+s3+$0x0], $0xffff  }
0x10d: {  	v58 =	vor.u32 v29, v36;
	_ =	sdelay $0x3  }
0x10e: {  	[tilespmem:s26+$0xA0] =	vst v37  }
0x10f: {  	v37 =	vld.idx.msk [tilespmem:v58+s3+$0x0], $0xffff  }
0x110: {  	v59 =	vor.u32 v30, v36;
	_ =	sdelay $0x3  }
0x111: {  	[tilespmem:s26+$0xB0] =	vst v37  }
0x112: {  	v37 =	vld.idx.msk [tilespmem:v59+s3+$0x0], $0xffff  }
0x113: {  	v60 =	vor.u32 v31, v36;
	_ =	sdelay $0x3  }
0x114: {  	[tilespmem:s26+$0xC0] =	vst v37  }
0x115: {  	v37 =	vld.idx.msk [tilespmem:v60+s3+$0x0], $0xffff  }
0x116: {  	v61 =	vor.u32 v32, v36;
	_ =	sdelay $0x3  }
0x117: {  	[tilespmem:s26+$0xD0] =	vst v37  }
0x118: {  	v37 =	vld.idx.msk [tilespmem:v61+s3+$0x0], $0xffff  }
0x119: {  	v62 =	vor.u32 v33, v36;
	_ =	sdelay $0x3  }
0x11a: {  	[tilespmem:s26+$0xE0] =	vst v37  }
0x11b: {  	v37 =	vld.idx.msk [tilespmem:v62+s3+$0x0], $0xffff  }
0x11c: {  	v63 =	vor.u32 v34, v36;
	_ =	sdelay $0x3  }
0x11d: {  	[tilespmem:s26+$0xF0] =	vst v37  }
0x11e: {  	v38 =	vld.idx.msk [tilespmem:v63+s3+$0x0], $0xffff  }
0x11f: {  	v37 =	vor.u32 v35, v36;
	_ =	sdelay $0x1  }
0x120: {  	s13 =	simm.s32 $0x1  }
0x121: {  	s10 =	simm.s32 $0x2;
	v36 =	vmov s13  }
.LBB2_5:
0x122: {  	p1 =	sne.s32 s10, $0xF;
	v36 =	vand.u32 $0xF, v36;
	[tilespmem:s26+$0x100] =	vst v38  }
0x123: {  	v36 =	vbroadcast v36, $0x0;
	v37 =	vld.idx.msk [tilespmem:v37+s3+$0x0], $0xffff;
	_ =	sdelay $0x1  }
0x124: {  	v38 =	vor.u32 v0, v36;
	_ =	sdelay $0x3  }
0x125: {  	[tilespmem:s26+$0x110] =	vst v37  }
0x126: {  	v37 =	vld.idx.msk [tilespmem:v38+s3+$0x0], $0xffff;
	_ =	sdelay $0x1  }
0x127: {  	v38 =	vor.u32 v1, v36;
	_ =	sdelay $0x2  }
0x128: {  	s26 =	sadd.s32 $0x240, s26  }
0x129: {  	[tilespmem:s26+$0xFFFFFEE0] =	vst v37  }
0x12a: {  	v37 =	vld.idx.msk [tilespmem:v38+s3+$0x0], $0xffff;
	_ =	sdelay $0x1  }
0x12b: {  	v38 =	vor.u32 v2, v36;
	_ =	sdelay $0x3  }
0x12c: {  	[tilespmem:s26+$0xFFFFFEF0] =	vst v37  }
0x12d: {  	v37 =	vld.idx.msk [tilespmem:v38+s3+$0x0], $0xffff;
	_ =	sdelay $0x1  }
0x12e: {  	v38 =	vor.u32 v3, v36;
	_ =	sdelay $0x3  }
0x12f: {  	[tilespmem:s26+$0xFFFFFF00] =	vst v37  }
0x130: {  	v37 =	vld.idx.msk [tilespmem:v38+s3+$0x0], $0xffff;
	_ =	sdelay $0x1  }
0x131: {  	v38 =	vor.u32 v4, v36;
	_ =	sdelay $0x3  }
0x132: {  	[tilespmem:s26+$0xFFFFFF10] =	vst v37  }
0x133: {  	v37 =	vld.idx.msk [tilespmem:v38+s3+$0x0], $0xffff;
	_ =	sdelay $0x1  }
0x134: {  	v38 =	vor.u32 v5, v36;
	_ =	sdelay $0x3  }
0x135: {  	[tilespmem:s26+$0xFFFFFF20] =	vst v37  }
0x136: {  	v37 =	vld.idx.msk [tilespmem:v38+s3+$0x0], $0xffff;
	_ =	sdelay $0x1  }
0x137: {  	v38 =	vor.u32 v6, v36;
	_ =	sdelay $0x3  }
0x138: {  	[tilespmem:s26+$0xFFFFFF30] =	vst v37  }
0x139: {  	v37 =	vld.idx.msk [tilespmem:v38+s3+$0x0], $0xffff;
	_ =	sdelay $0x1  }
0x13a: {  	v38 =	vor.u32 v7, v36;
	_ =	sdelay $0x3  }
0x13b: {  	[tilespmem:s26+$0xFFFFFF40] =	vst v37  }
0x13c: {  	v37 =	vld.idx.msk [tilespmem:v38+s3+$0x0], $0xffff;
	_ =	sdelay $0x1  }
0x13d: {  	v38 =	vor.u32 v8, v36;
	_ =	sdelay $0x3  }
0x13e: {  	[tilespmem:s26+$0xFFFFFF50] =	vst v37  }
0x13f: {  	v37 =	vld.idx.msk [tilespmem:v38+s3+$0x0], $0xffff;
	_ =	sdelay $0x1  }
0x140: {  	v38 =	vor.u32 v9, v36;
	_ =	sdelay $0x3  }
0x141: {  	[tilespmem:s26+$0xFFFFFF60] =	vst v37  }
0x142: {  	v37 =	vld.idx.msk [tilespmem:v38+s3+$0x0], $0xffff;
	_ =	sdelay $0x1  }
0x143: {  	v38 =	vor.u32 v10, v36;
	_ =	sdelay $0x3  }
0x144: {  	[tilespmem:s26+$0xFFFFFF70] =	vst v37  }
0x145: {  	v37 =	vld.idx.msk [tilespmem:v38+s3+$0x0], $0xffff;
	_ =	sdelay $0x1  }
0x146: {  	v38 =	vor.u32 v11, v36;
	_ =	sdelay $0x3  }
0x147: {  	[tilespmem:s26+$0xFFFFFF80] =	vst v37  }
0x148: {  	v37 =	vld.idx.msk [tilespmem:v38+s3+$0x0], $0xffff;
	_ =	sdelay $0x1  }
0x149: {  	v38 =	vor.u32 v12, v36;
	_ =	sdelay $0x3  }
0x14a: {  	[tilespmem:s26+$0xFFFFFF90] =	vst v37  }
0x14b: {  	v37 =	vld.idx.msk [tilespmem:v38+s3+$0x0], $0xffff;
	_ =	sdelay $0x1  }
0x14c: {  	v38 =	vor.u32 v13, v36;
	_ =	sdelay $0x3  }
0x14d: {  	[tilespmem:s26+$0xFFFFFFA0] =	vst v37  }
0x14e: {  	v37 =	vld.idx.msk [tilespmem:v38+s3+$0x0], $0xffff;
	_ =	sdelay $0x1  }
0x14f: {  	v38 =	vor.u32 v14, v36;
	_ =	sdelay $0x3  }
0x150: {  	[tilespmem:s26+$0xFFFFFFB0] =	vst v37  }
0x151: {  	v37 =	vld.idx.msk [tilespmem:v38+s3+$0x0], $0xffff;
	_ =	sdelay $0x1  }
0x152: {  	v38 =	vor.u32 v15, v36;
	_ =	sdelay $0x3  }
0x153: {  	[tilespmem:s26+$0xFFFFFFC0] =	vst v37  }
0x154: {  	v37 =	vld.idx.msk [tilespmem:v38+s3+$0x0], $0xffff;
	_ =	sdelay $0x1  }
0x155: {  	v38 =	vor.u32 v16, v36;
	_ =	sdelay $0x3  }
0x156: {  	[tilespmem:s26+$0xFFFFFFD0] =	vst v37  }
0x157: {  	v37 =	vld.idx.msk [tilespmem:v38+s3+$0x0], $0xffff;
	_ =	sdelay $0x1  }
0x158: {  	v38 =	vor.u32 v17, v36;
	_ =	sdelay $0x3  }
0x159: {  	[tilespmem:s26+$0xFFFFFFE0] =	vst v37  }
0x15a: {  	v37 =	vld.idx.msk [tilespmem:v38+s3+$0x0], $0xffff;
	_ =	sdelay $0x1  }
0x15b: {  	v38 =	vor.u32 v18, v36;
	_ =	sdelay $0x3  }
0x15c: {  	[tilespmem:s26+$0xFFFFFFF0] =	vst v37  }
0x15d: {  	v37 =	vld.idx.msk [tilespmem:v38+s3+$0x0], $0xffff;
	_ =	sdelay $0x1  }
0x15e: {  	v38 =	vor.u32 v19, v36;
	_ =	sdelay $0x3  }
0x15f: {  	[tilespmem:s26+$0x0] =	vst v37  }
0x160: {  	v37 =	vld.idx.msk [tilespmem:v38+s3+$0x0], $0xffff;
	_ =	sdelay $0x1  }
0x161: {  	v38 =	vor.u32 v20, v36;
	_ =	sdelay $0x3  }
0x162: {  	[tilespmem:s26+$0x10] =	vst v37  }
0x163: {  	v37 =	vld.idx.msk [tilespmem:v38+s3+$0x0], $0xffff;
	_ =	sdelay $0x1  }
0x164: {  	v38 =	vor.u32 v21, v36;
	_ =	sdelay $0x3  }
0x165: {  	[tilespmem:s26+$0x20] =	vst v37  }
0x166: {  	v37 =	vld.idx.msk [tilespmem:v38+s3+$0x0], $0xffff;
	_ =	sdelay $0x1  }
0x167: {  	v38 =	vor.u32 v22, v36;
	_ =	sdelay $0x3  }
0x168: {  	[tilespmem:s26+$0x30] =	vst v37  }
0x169: {  	v37 =	vld.idx.msk [tilespmem:v38+s3+$0x0], $0xffff;
	_ =	sdelay $0x1  }
0x16a: {  	v38 =	vor.u32 v23, v36;
	_ =	sdelay $0x3  }
0x16b: {  	[tilespmem:s26+$0x40] =	vst v37  }
0x16c: {  	v37 =	vld.idx.msk [tilespmem:v38+s3+$0x0], $0xffff;
	_ =	sdelay $0x1  }
0x16d: {  	v38 =	vor.u32 v24, v36;
	_ =	sdelay $0x3  }
0x16e: {  	[tilespmem:s26+$0x50] =	vst v37  }
0x16f: {  	v37 =	vld.idx.msk [tilespmem:v38+s3+$0x0], $0xffff;
	_ =	sdelay $0x1  }
0x170: {  	v38 =	vor.u32 v25, v36;
	_ =	sdelay $0x3  }
0x171: {  	[tilespmem:s26+$0x60] =	vst v37  }
0x172: {  	v37 =	vld.idx.msk [tilespmem:v38+s3+$0x0], $0xffff;
	_ =	sdelay $0x1  }
0x173: {  	v38 =	vor.u32 v26, v36;
	_ =	sdelay $0x3  }
0x174: {  	[tilespmem:s26+$0x70] =	vst v37  }
0x175: {  	v37 =	vld.idx.msk [tilespmem:v38+s3+$0x0], $0xffff;
	_ =	sdelay $0x1  }
0x176: {  	v38 =	vor.u32 v27, v36;
	_ =	sdelay $0x3  }
0x177: {  	[tilespmem:s26+$0x80] =	vst v37  }
0x178: {  	v37 =	vld.idx.msk [tilespmem:v38+s3+$0x0], $0xffff;
	_ =	sdelay $0x1  }
0x179: {  	v38 =	vor.u32 v28, v36;
	_ =	sdelay $0x3  }
0x17a: {  	[tilespmem:s26+$0x90] =	vst v37  }
0x17b: {  	v37 =	vld.idx.msk [tilespmem:v38+s3+$0x0], $0xffff;
	_ =	sdelay $0x1  }
0x17c: {  	v38 =	vor.u32 v29, v36;
	_ =	sdelay $0x3  }
0x17d: {  	[tilespmem:s26+$0xA0] =	vst v37  }
0x17e: {  	v37 =	vld.idx.msk [tilespmem:v38+s3+$0x0], $0xffff;
	_ =	sdelay $0x1  }
0x17f: {  	v38 =	vor.u32 v30, v36;
	_ =	sdelay $0x3  }
0x180: {  	[tilespmem:s26+$0xB0] =	vst v37  }
0x181: {  	v37 =	vld.idx.msk [tilespmem:v38+s3+$0x0], $0xffff;
	_ =	sdelay $0x1  }
0x182: {  	v38 =	vor.u32 v31, v36;
	_ =	sdelay $0x3  }
0x183: {  	[tilespmem:s26+$0xC0] =	vst v37  }
0x184: {  	v37 =	vld.idx.msk [tilespmem:v38+s3+$0x0], $0xffff;
	_ =	sdelay $0x1  }
0x185: {  	v38 =	vor.u32 v32, v36;
	_ =	sdelay $0x3  }
0x186: {  	[tilespmem:s26+$0xD0] =	vst v37  }
0x187: {  	v37 =	vld.idx.msk [tilespmem:v38+s3+$0x0], $0xffff;
	_ =	sdelay $0x1  }
0x188: {  	v38 =	vor.u32 v33, v36;
	_ =	sdelay $0x3  }
0x189: {  	[tilespmem:s26+$0xE0] =	vst v37  }
0x18a: {  	v37 =	vld.idx.msk [tilespmem:v38+s3+$0x0], $0xffff;
	_ =	sdelay $0x1  }
0x18b: {  	v38 =	vor.u32 v34, v36;
	_ =	sdelay $0x3  }
0x18c: {  	[tilespmem:s26+$0xF0] =	vst v37  }
0x18d: {  	v38 =	vld.idx.msk [tilespmem:v38+s3+$0x0], $0xffff  }
.Ltmp1:
0x18e: {  	(pc) =	sbr.rel @p1 .LBB2_5-.Ltmp1, $2  }
0x18f: {  	v37 =	vor.u32 v35, v36;
	_ =	sdelay $0x2  }
0x190: {  	v36 =	vmov s10;
	s10 =	sadd.s32 $0x1, s10  }
0x191: {  	_ =	sdelay $0x1  }
0x192: {  	v36 =	vand.u32 $0xF, v36  }
0x193: {  	[tilespmem:s26+$0x100] =	vst v38;
	v36 =	vbroadcast v36, $0x0  }
0x194: {  	v37 =	vld.idx.msk [tilespmem:v37+s3+$0x0], $0xffff  }
0x195: {  	v53 =	vor.u32 v0, v36;
	_ =	sdelay $0x3  }
0x196: {  	[tilespmem:s26+$0x110] =	vst v37  }
0x197: {  	v37 =	vld.idx.msk [tilespmem:v53+s3+$0x0], $0xffff  }
0x198: {  	v54 =	vor.u32 v1, v36;
	_ =	sdelay $0x2  }
0x199: {  	s10 =	sadd.s32 $0x240, s26  }
0x19a: {  	[tilespmem:s10+$0xFFFFFEE0] =	vst v37  }
0x19b: {  	v37 =	vld.idx.msk [tilespmem:v54+s3+$0x0], $0xffff  }
0x19c: {  	v55 =	vor.u32 v2, v36;
	_ =	sdelay $0x3  }
0x19d: {  	[tilespmem:s10+$0xFFFFFEF0] =	vst v37  }
0x19e: {  	v37 =	vld.idx.msk [tilespmem:v55+s3+$0x0], $0xffff  }
0x19f: {  	v56 =	vor.u32 v3, v36;
	_ =	sdelay $0x3  }
0x1a0: {  	[tilespmem:s10+$0xFFFFFF00] =	vst v37  }
0x1a1: {  	v37 =	vld.idx.msk [tilespmem:v56+s3+$0x0], $0xffff  }
0x1a2: {  	v57 =	vor.u32 v4, v36;
	_ =	sdelay $0x3  }
0x1a3: {  	[tilespmem:s10+$0xFFFFFF10] =	vst v37  }
0x1a4: {  	v37 =	vld.idx.msk [tilespmem:v57+s3+$0x0], $0xffff  }
0x1a5: {  	v58 =	vor.u32 v5, v36;
	_ =	sdelay $0x3  }
0x1a6: {  	[tilespmem:s10+$0xFFFFFF20] =	vst v37  }
0x1a7: {  	v37 =	vld.idx.msk [tilespmem:v58+s3+$0x0], $0xffff  }
0x1a8: {  	v59 =	vor.u32 v6, v36;
	_ =	sdelay $0x3  }
0x1a9: {  	[tilespmem:s10+$0xFFFFFF30] =	vst v37  }
0x1aa: {  	v37 =	vld.idx.msk [tilespmem:v59+s3+$0x0], $0xffff  }
0x1ab: {  	v60 =	vor.u32 v7, v36;
	_ =	sdelay $0x3  }
0x1ac: {  	[tilespmem:s10+$0xFFFFFF40] =	vst v37  }
0x1ad: {  	v37 =	vld.idx.msk [tilespmem:v60+s3+$0x0], $0xffff  }
0x1ae: {  	v61 =	vor.u32 v8, v36;
	_ =	sdelay $0x3  }
0x1af: {  	[tilespmem:s10+$0xFFFFFF50] =	vst v37  }
0x1b0: {  	v37 =	vld.idx.msk [tilespmem:v61+s3+$0x0], $0xffff  }
0x1b1: {  	v62 =	vor.u32 v9, v36;
	_ =	sdelay $0x3  }
0x1b2: {  	[tilespmem:s10+$0xFFFFFF60] =	vst v37  }
0x1b3: {  	v37 =	vld.idx.msk [tilespmem:v62+s3+$0x0], $0xffff  }
0x1b4: {  	v63 =	vor.u32 v10, v36;
	_ =	sdelay $0x3  }
0x1b5: {  	[tilespmem:s10+$0xFFFFFF70] =	vst v37  }
0x1b6: {  	v37 =	vld.idx.msk [tilespmem:v63+s3+$0x0], $0xffff  }
0x1b7: {  	v40 =	vor.u32 v11, v36;
	_ =	sdelay $0x3  }
0x1b8: {  	[tilespmem:s10+$0xFFFFFF80] =	vst v37  }
0x1b9: {  	v37 =	vld.idx.msk [tilespmem:v40+s3+$0x0], $0xffff  }
0x1ba: {  	v41 =	vor.u32 v12, v36;
	_ =	sdelay $0x3  }
0x1bb: {  	[tilespmem:s10+$0xFFFFFF90] =	vst v37  }
0x1bc: {  	v37 =	vld.idx.msk [tilespmem:v41+s3+$0x0], $0xffff  }
0x1bd: {  	v42 =	vor.u32 v13, v36;
	_ =	sdelay $0x3  }
0x1be: {  	[tilespmem:s10+$0xFFFFFFA0] =	vst v37  }
0x1bf: {  	v37 =	vld.idx.msk [tilespmem:v42+s3+$0x0], $0xffff  }
0x1c0: {  	v43 =	vor.u32 v14, v36;
	_ =	sdelay $0x3  }
0x1c1: {  	[tilespmem:s10+$0xFFFFFFB0] =	vst v37  }
0x1c2: {  	v37 =	vld.idx.msk [tilespmem:v43+s3+$0x0], $0xffff  }
0x1c3: {  	v44 =	vor.u32 v15, v36;
	_ =	sdelay $0x3  }
0x1c4: {  	[tilespmem:s10+$0xFFFFFFC0] =	vst v37  }
0x1c5: {  	v37 =	vld.idx.msk [tilespmem:v44+s3+$0x0], $0xffff  }
0x1c6: {  	v45 =	vor.u32 v16, v36;
	_ =	sdelay $0x3  }
0x1c7: {  	[tilespmem:s10+$0xFFFFFFD0] =	vst v37  }
0x1c8: {  	v37 =	vld.idx.msk [tilespmem:v45+s3+$0x0], $0xffff  }
0x1c9: {  	v46 =	vor.u32 v17, v36;
	_ =	sdelay $0x3  }
0x1ca: {  	[tilespmem:s10+$0xFFFFFFE0] =	vst v37  }
0x1cb: {  	v37 =	vld.idx.msk [tilespmem:v46+s3+$0x0], $0xffff  }
0x1cc: {  	v47 =	vor.u32 v18, v36;
	_ =	sdelay $0x3  }
0x1cd: {  	[tilespmem:s10+$0xFFFFFFF0] =	vst v37  }
0x1ce: {  	v37 =	vld.idx.msk [tilespmem:v47+s3+$0x0], $0xffff  }
0x1cf: {  	v48 =	vor.u32 v19, v36;
	_ =	sdelay $0x3  }
0x1d0: {  	[tilespmem:s10+$0x0] =	vst v37  }
0x1d1: {  	v37 =	vld.idx.msk [tilespmem:v48+s3+$0x0], $0xffff  }
0x1d2: {  	v49 =	vor.u32 v20, v36;
	_ =	sdelay $0x3  }
0x1d3: {  	[tilespmem:s10+$0x10] =	vst v37  }
0x1d4: {  	v37 =	vld.idx.msk [tilespmem:v49+s3+$0x0], $0xffff  }
0x1d5: {  	v50 =	vor.u32 v21, v36;
	_ =	sdelay $0x3  }
0x1d6: {  	[tilespmem:s10+$0x20] =	vst v37  }
0x1d7: {  	v37 =	vld.idx.msk [tilespmem:v50+s3+$0x0], $0xffff  }
0x1d8: {  	v51 =	vor.u32 v22, v36;
	_ =	sdelay $0x3  }
0x1d9: {  	[tilespmem:s10+$0x30] =	vst v37  }
0x1da: {  	v37 =	vld.idx.msk [tilespmem:v51+s3+$0x0], $0xffff  }
0x1db: {  	v52 =	vor.u32 v23, v36;
	_ =	sdelay $0x3  }
0x1dc: {  	[tilespmem:s10+$0x40] =	vst v37  }
0x1dd: {  	v37 =	vld.idx.msk [tilespmem:v52+s3+$0x0], $0xffff  }
0x1de: {  	v53 =	vor.u32 v24, v36;
	_ =	sdelay $0x3  }
0x1df: {  	[tilespmem:s10+$0x50] =	vst v37  }
0x1e0: {  	v37 =	vld.idx.msk [tilespmem:v53+s3+$0x0], $0xffff  }
0x1e1: {  	v54 =	vor.u32 v25, v36;
	_ =	sdelay $0x3  }
0x1e2: {  	[tilespmem:s10+$0x60] =	vst v37  }
0x1e3: {  	v37 =	vld.idx.msk [tilespmem:v54+s3+$0x0], $0xffff  }
0x1e4: {  	v55 =	vor.u32 v26, v36;
	_ =	sdelay $0x3  }
0x1e5: {  	[tilespmem:s10+$0x70] =	vst v37  }
0x1e6: {  	v37 =	vld.idx.msk [tilespmem:v55+s3+$0x0], $0xffff  }
0x1e7: {  	v56 =	vor.u32 v27, v36;
	_ =	sdelay $0x3  }
0x1e8: {  	[tilespmem:s10+$0x80] =	vst v37  }
0x1e9: {  	v37 =	vld.idx.msk [tilespmem:v56+s3+$0x0], $0xffff  }
0x1ea: {  	v57 =	vor.u32 v28, v36;
	_ =	sdelay $0x3  }
0x1eb: {  	[tilespmem:s10+$0x90] =	vst v37  }
0x1ec: {  	v37 =	vld.idx.msk [tilespmem:v57+s3+$0x0], $0xffff  }
0x1ed: {  	v58 =	vor.u32 v29, v36;
	_ =	sdelay $0x3  }
0x1ee: {  	[tilespmem:s10+$0xA0] =	vst v37  }
0x1ef: {  	v37 =	vld.idx.msk [tilespmem:v58+s3+$0x0], $0xffff  }
0x1f0: {  	v59 =	vor.u32 v30, v36;
	_ =	sdelay $0x3  }
0x1f1: {  	[tilespmem:s10+$0xB0] =	vst v37  }
0x1f2: {  	v37 =	vld.idx.msk [tilespmem:v59+s3+$0x0], $0xffff  }
0x1f3: {  	v60 =	vor.u32 v31, v36;
	_ =	sdelay $0x3  }
0x1f4: {  	[tilespmem:s10+$0xC0] =	vst v37  }
0x1f5: {  	v37 =	vld.idx.msk [tilespmem:v60+s3+$0x0], $0xffff  }
0x1f6: {  	v61 =	vor.u32 v32, v36;
	_ =	sdelay $0x3  }
0x1f7: {  	[tilespmem:s10+$0xD0] =	vst v37  }
0x1f8: {  	v37 =	vld.idx.msk [tilespmem:v61+s3+$0x0], $0xffff  }
0x1f9: {  	v62 =	vor.u32 v33, v36;
	_ =	sdelay $0x3  }
0x1fa: {  	[tilespmem:s10+$0xE0] =	vst v37  }
0x1fb: {  	v37 =	vld.idx.msk [tilespmem:v62+s3+$0x0], $0xffff  }
0x1fc: {  	v63 =	vor.u32 v34, v36;
	_ =	sdelay $0x3  }
0x1fd: {  	[tilespmem:s10+$0xF0] =	vst v37  }
0x1fe: {  	v37 =	vld.idx.msk [tilespmem:v63+s3+$0x0], $0xffff  }
0x1ff: {  	v36 =	vor.u32 v35, v36;
	_ =	sdelay $0x3  }
0x200: {  	[tilespmem:s10+$0x100] =	vst v37  }
0x201: {  	v36 =	vld.idx.msk [tilespmem:v36+s3+$0x0], $0xffff;
	_ =	sdelay $0x4  }
0x202: {  	[tilespmem:s10+$0x110] =	vst v36  }
0x203: {  	_ =	swait.ge [sflag:s23], $0x1000  }
0x204: {  	[sflag:s23] =	ssyncset.done $0x0  }
0x205: {  	[sflag:s23] =	ssyncadd.s32 $0xFFFFF000  }
0x206: {  	_ =	swait.ge [sflag:s23], $0x1000  }
0x207: {  	[sflag:s23] =	ssyncset.done $0x0  }
0x208: {  	[sflag:s23] =	ssyncadd.s32 $0xFFFFF000  }
0x209: {  	_ =	swait.ge [sflag:s23], $0x1000  }
0x20a: {  	[sflag:s23] =	ssyncset.done $0x0  }
0x20b: {  	[sflag:s23] =	ssyncadd.s32 $0xFFFFF000  }
0x20c: {  	_ =	swait.ge [sflag:s23], $0x1000  }
0x20d: {  	[sflag:s23] =	ssyncset.done $0x0  }
0x20e: {  	[sflag:s23] =	ssyncadd.s32 $0xFFFFF000  }
0x20f: {  	_ =	swait.ge [sflag:s23], $0x1000  }
0x210: {  	[sflag:s23] =	ssyncset.done $0x0  }
0x211: {  	[sflag:s23] =	ssyncadd.s32 $0xFFFFF000  }
0x212: {  	_ =	swait.ge [sflag:s23], $0x1000  }
0x213: {  	[sflag:s23] =	ssyncset.done $0x0  }
0x214: {  	[sflag:s23] =	ssyncadd.s32 $0xFFFFF000  }
0x215: {  	_ =	swait.ge [sflag:s23], $0x1000  }
0x216: {  	[sflag:s23] =	ssyncset.done $0x0  }
0x217: {  	[sflag:s23] =	ssyncadd.s32 $0xFFFFF000  }
0x218: {  	_ =	swait.ge [sflag:s23], $0x1000  }
0x219: {  	[sflag:s23] =	ssyncset.done $0x0  }
0x21a: {  	[sflag:s23] =	ssyncadd.s32 $0xFFFFF000  }
0x21b: {  	_ =	swait.ge [sflag:s23], $0x1000  }
0x21c: {  	[sflag:s23] =	ssyncset.done $0x0  }
0x21d: {  	[sflag:s23] =	ssyncadd.s32 $0xFFFFF000  }
0x21e: {  	_ =	swait.ge [sflag:s23], $0x1000  }
0x21f: {  	[sflag:s23] =	ssyncset.done $0x0  }
0x220: {  	[sflag:s23] =	ssyncadd.s32 $0xFFFFF000  }
0x221: {  	_ =	swait.ge [sflag:s23], $0x1000  }
0x222: {  	[sflag:s23] =	ssyncset.done $0x0  }
0x223: {  	[sflag:s23] =	ssyncadd.s32 $0xFFFFF000  }
0x224: {  	_ =	swait.ge [sflag:s23], $0x1000  }
0x225: {  	[sflag:s23] =	ssyncset.done $0x0  }
0x226: {  	[sflag:s23] =	ssyncadd.s32 $0xFFFFF000  }
0x227: {  	_ =	swait.ge [sflag:s23], $0x1000  }
0x228: {  	[sflag:s23] =	ssyncset.done $0x0  }
0x229: {  	[sflag:s23] =	ssyncadd.s32 $0xFFFFF000  }
0x22a: {  	_ =	swait.ge [sflag:s23], $0x1000  }
0x22b: {  	[sflag:s23] =	ssyncset.done $0x0  }
0x22c: {  	[sflag:s23] =	ssyncadd.s32 $0xFFFFF000  }
0x22d: {  	_ =	swait.ge [sflag:s23], $0x1000  }
0x22e: {  	[sflag:s23] =	ssyncset.done $0x0  }
0x22f: {  	[sflag:s23] =	ssyncadd.s32 $0xFFFFF000  }
0x230: {  	_ =	swait.ge [sflag:s23], $0x1000  }
0x231: {  	[sflag:s23] =	ssyncset.done $0x0  }
0x232: {  	s1 =	simm.s32 $0x2800;
	s10 =	simm.s32 $0x5040;
	[sflag:s23] =	ssyncadd.s32 $0xFFFFF000  }
0x233: {  	[tilespmem:s10], [sflag:$0x1] =	stream.indirect.gather.add.f32 [hbm:s7], $0x40, s1, s0, $0xb8;
	[tilespmem:$0x15400] =	vst v63  }
0x234: {  	s13 =	simm.s32 $0x2840  }
0x235: {  	[tilespmem:s10], [sflag:$0x1] =	stream.indirect.gather.add.f32 [hbm:s7], $0x40, s13, s0, $0xb8;
	[tilespmem:$0x15400] =	vst v63  }
0x236: {  	s26 =	simm.s32 $0x2880  }
0x237: {  	[tilespmem:s10], [sflag:$0x1] =	stream.indirect.gather.add.f32 [hbm:s7], $0x40, s26, s0, $0xb8;
	[tilespmem:$0x15400] =	vst v63  }
0x238: {  	s2 =	simm.s32 $0x28C0  }
0x239: {  	[tilespmem:s10], [sflag:$0x1] =	stream.indirect.gather.add.f32 [hbm:s7], $0x40, s2, s0, $0xb8;
	[tilespmem:$0x15400] =	vst v63  }
0x23a: {  	s4 =	simm.s32 $0x2900  }
0x23b: {  	[tilespmem:s10], [sflag:$0x1] =	stream.indirect.gather.add.f32 [hbm:s7], $0x40, s4, s0, $0xb8;
	[tilespmem:$0x15400] =	vst v63  }
0x23c: {  	s12 =	simm.s32 $0x2940  }
0x23d: {  	[tilespmem:s10], [sflag:$0x1] =	stream.indirect.gather.add.f32 [hbm:s7], $0x40, s12, s0, $0xb8;
	[tilespmem:$0x15400] =	vst v63  }
0x23e: {  	s13 =	simm.s32 $0x2980  }
0x23f: {  	[tilespmem:s10], [sflag:$0x1] =	stream.indirect.gather.add.f32 [hbm:s7], $0x40, s13, s0, $0xb8;
	[tilespmem:$0x15400] =	vst v63  }
0x240: {  	s1 =	simm.s32 $0x6080;
	s26 =	simm.s32 $0x29C0  }
0x241: {  	[tilespmem:s10], [sflag:$0x1] =	stream.indirect.gather.add.f32 [hbm:s7], $0x40, s26, s0, $0xb8;
	[tilespmem:$0x15400] =	vst v63  }
0x242: {  	s2 =	simm.s32 $0x1200;
	s4 =	simm.s32 $0x2A00;
	s26 =	simm.s32 $0x240  }
.LBB2_7:
0x243: {  	[tilespmem:s10], [sflag:$0x1] =	stream.indirect.gather.add.f32 [hbm:s7], $0x40, s4, s0, $0xb8;
	[tilespmem:$0x15400] =	vst v63  }
0x244: {  	s4 =	smov.u32 s2;
	s10 =	smov.u32 s1  }
0x245: {  	s13 =	sadd.s32 $0x900, s2;
	s12 =	sshra.s32 s4, $0x2;
	s4 =	sadd.s32 $0x2800, s26  }
0x246: {  	[tilespmem:s1], [sflag:$0x1] =	stream.indirect.gather.add.f32 [hbm:s7], $0x40, s4, s0, $0xb8;
	[tilespmem:$0x15400] =	vst v63  }
0x247: {  	p1 =	sne.s32 s2, $0x8700;
	s2 =	sadd.s32 $0x2840, s26  }
0x248: {  	[tilespmem:s1], [sflag:$0x1] =	stream.indirect.gather.add.f32 [hbm:s7], $0x40, s2, s0, $0xb8;
	[tilespmem:$0x15400] =	vst v63  }
0x249: {  	s2 =	sadd.s32 $0x2880, s26  }
0x24a: {  	[tilespmem:s1], [sflag:$0x1] =	stream.indirect.gather.add.f32 [hbm:s7], $0x40, s2, s0, $0xb8;
	[tilespmem:$0x15400] =	vst v63  }
0x24b: {  	s2 =	sadd.s32 $0x28C0, s26  }
0x24c: {  	[tilespmem:s1], [sflag:$0x1] =	stream.indirect.gather.add.f32 [hbm:s7], $0x40, s2, s0, $0xb8;
	[tilespmem:$0x15400] =	vst v63  }
0x24d: {  	s2 =	sadd.s32 $0x2900, s26  }
0x24e: {  	[tilespmem:s1], [sflag:$0x1] =	stream.indirect.gather.add.f32 [hbm:s7], $0x40, s2, s0, $0xb8;
	[tilespmem:$0x15400] =	vst v63  }
0x24f: {  	s2 =	sadd.s32 $0x2940, s26  }
0x250: {  	[tilespmem:s1], [sflag:$0x1] =	stream.indirect.gather.add.f32 [hbm:s7], $0x40, s2, s0, $0xb8;
	[tilespmem:$0x15400] =	vst v63  }
.Ltmp2:
0x251: {  	s2 =	sadd.s32 $0x2980, s26;
	(pc) =	sbr.rel @p1 .LBB2_7-.Ltmp2, $4  }
0x252: {  	[tilespmem:s1], [sflag:$0x1] =	stream.indirect.gather.add.f32 [hbm:s7], $0x40, s2, s0, $0xb8;
	[tilespmem:$0x15400] =	vst v63  }
0x253: {  	s4 =	sadd.s32 $0x2A00, s26;
	s2 =	sadd.s32 $0x29C0, s26  }
0x254: {  	[tilespmem:s1], [sflag:$0x1] =	stream.indirect.gather.add.f32 [hbm:s7], $0x40, s2, s0, $0xb8;
	[tilespmem:$0x15400] =	vst v63  }
0x255: {  	s26 =	smov.u32 s12;
	s1 =	sadd.s32 $0x1040, s1;
	s2 =	smov.u32 s13  }
0x256: {  	[tilespmem:s10], [sflag:$0x1] =	stream.indirect.gather.add.f32 [hbm:s7], $0x40, s4, s0, $0xb8;
	[tilespmem:$0x15400] =	vst v63  }
0x257: {  	s2 =	sadd.s32 $0x2800, s26  }
0x258: {  	[tilespmem:s1], [sflag:$0x1] =	stream.indirect.gather.add.f32 [hbm:s7], $0x40, s2, s0, $0xb8;
	[tilespmem:$0x15400] =	vst v63  }
0x259: {  	s10 =	sadd.s32 $0x2840, s26  }
0x25a: {  	[tilespmem:s1], [sflag:$0x1] =	stream.indirect.gather.add.f32 [hbm:s7], $0x40, s10, s0, $0xb8;
	[tilespmem:$0x15400] =	vst v63  }
0x25b: {  	s12 =	sadd.s32 $0x2880, s26  }
0x25c: {  	[tilespmem:s1], [sflag:$0x1] =	stream.indirect.gather.add.f32 [hbm:s7], $0x40, s12, s0, $0xb8;
	[tilespmem:$0x15400] =	vst v63  }
0x25d: {  	s13 =	sadd.s32 $0x28C0, s26  }
0x25e: {  	[tilespmem:s1], [sflag:$0x1] =	stream.indirect.gather.add.f32 [hbm:s7], $0x40, s13, s0, $0xb8;
	[tilespmem:$0x15400] =	vst v63  }
0x25f: {  	s4 =	sadd.s32 $0x2900, s26  }
0x260: {  	[tilespmem:s1], [sflag:$0x1] =	stream.indirect.gather.add.f32 [hbm:s7], $0x40, s4, s0, $0xb8;
	[tilespmem:$0x15400] =	vst v63  }
0x261: {  	s10 =	sadd.s32 $0x2940, s26  }
0x262: {  	[tilespmem:s1], [sflag:$0x1] =	stream.indirect.gather.add.f32 [hbm:s7], $0x40, s10, s0, $0xb8;
	[tilespmem:$0x15400] =	vst v63  }
0x263: {  	s12 =	sadd.s32 $0x2980, s26  }
0x264: {  	[tilespmem:s1], [sflag:$0x1] =	stream.indirect.gather.add.f32 [hbm:s7], $0x40, s12, s0, $0xb8;
	[tilespmem:$0x15400] =	vst v63  }
0x265: {  	s13 =	sadd.s32 $0x29C0, s26  }
0x266: {  	[tilespmem:s1], [sflag:$0x1] =	stream.indirect.gather.add.f32 [hbm:s7], $0x40, s13, s0, $0xb8;
	[tilespmem:$0x15400] =	vst v63  }
0x267: {  	s26 =	sadd.s32 $0x2A00, s26  }
0x268: {  	[tilespmem:s1], [sflag:$0x1] =	stream.indirect.gather.add.f32 [hbm:s7], $0x40, s26, s0, $0xb8;
	[tilespmem:$0x15400] =	vst v63  }
0x269: {  	_ =	swait.ge [sflag:s23], $0x1000  }
0x26a: {  	[sflag:s23] =	ssyncset.done $0x0  }
0x26b: {  	[sflag:s23] =	ssyncadd.s32 $0xFFFFF000  }
0x26c: {  	_ =	swait.ge [sflag:s23], $0x1000  }
0x26d: {  	[sflag:s23] =	ssyncset.done $0x0  }
0x26e: {  	[sflag:s23] =	ssyncadd.s32 $0xFFFFF000  }
0x26f: {  	_ =	swait.ge [sflag:s23], $0x1000  }
0x270: {  	[sflag:s23] =	ssyncset.done $0x0  }
0x271: {  	[sflag:s23] =	ssyncadd.s32 $0xFFFFF000  }
0x272: {  	_ =	swait.ge [sflag:s23], $0x1000  }
0x273: {  	[sflag:s23] =	ssyncset.done $0x0  }
0x274: {  	[sflag:s23] =	ssyncadd.s32 $0xFFFFF000  }
0x275: {  	_ =	swait.ge [sflag:s23], $0x1000  }
0x276: {  	[sflag:s23] =	ssyncset.done $0x0  }
0x277: {  	[sflag:s23] =	ssyncadd.s32 $0xFFFFF000  }
0x278: {  	_ =	swait.ge [sflag:s23], $0x1000  }
0x279: {  	[sflag:s23] =	ssyncset.done $0x0  }
0x27a: {  	[sflag:s23] =	ssyncadd.s32 $0xFFFFF000  }
0x27b: {  	_ =	swait.ge [sflag:s23], $0x1000  }
0x27c: {  	[sflag:s23] =	ssyncset.done $0x0  }
0x27d: {  	[sflag:s23] =	ssyncadd.s32 $0xFFFFF000  }
0x27e: {  	_ =	swait.ge [sflag:s23], $0x1000  }
0x27f: {  	[sflag:s23] =	ssyncset.done $0x0  }
0x280: {  	[sflag:s23] =	ssyncadd.s32 $0xFFFFF000  }
0x281: {  	_ =	swait.ge [sflag:s23], $0x1000  }
0x282: {  	s1 =	simm.s32 $0xF;
	[sflag:s23] =	ssyncset.done $0x0  }
.LBB2_9:
0x283: {  	p1 =	sne.s32 s1, $0x1;
	s1 =	sadd.s32 $0xFFFFFFFF, s1;
	[sflag:s23] =	ssyncadd.s32 $0xFFFFF000  }
0x284: {  	_ =	swait.ge [sflag:s23], $0x1000  }
0x285: {  	[sflag:s23] =	ssyncset.done $0x0  }
0x286: {  	[sflag:s23] =	ssyncadd.s32 $0xFFFFF000  }
0x287: {  	_ =	swait.ge [sflag:s23], $0x1000  }
0x288: {  	[sflag:s23] =	ssyncset.done $0x0  }
0x289: {  	[sflag:s23] =	ssyncadd.s32 $0xFFFFF000  }
0x28a: {  	_ =	swait.ge [sflag:s23], $0x1000  }
0x28b: {  	[sflag:s23] =	ssyncset.done $0x0  }
0x28c: {  	[sflag:s23] =	ssyncadd.s32 $0xFFFFF000  }
0x28d: {  	_ =	swait.ge [sflag:s23], $0x1000  }
0x28e: {  	[sflag:s23] =	ssyncset.done $0x0  }
0x28f: {  	[sflag:s23] =	ssyncadd.s32 $0xFFFFF000  }
0x290: {  	_ =	swait.ge [sflag:s23], $0x1000  }
0x291: {  	[sflag:s23] =	ssyncset.done $0x0  }
0x292: {  	[sflag:s23] =	ssyncadd.s32 $0xFFFFF000  }
0x293: {  	_ =	swait.ge [sflag:s23], $0x1000  }
0x294: {  	[sflag:s23] =	ssyncset.done $0x0  }
0x295: {  	[sflag:s23] =	ssyncadd.s32 $0xFFFFF000  }
0x296: {  	_ =	swait.ge [sflag:s23], $0x1000  }
0x297: {  	[sflag:s23] =	ssyncset.done $0x0  }
0x298: {  	[sflag:s23] =	ssyncadd.s32 $0xFFFFF000  }
.Ltmp3:
0x299: {  	_ =	swait.ge [sflag:s23], $0x1000;
	(pc) =	sbr.rel @p1 .LBB2_9-.Ltmp3, $4  }
0x29a: {  	[sflag:s23] =	ssyncset.done $0x0  }
0x29b: {  	[sflag:s23] =	ssyncadd.s32 $0xFFFFF000  }
0x29c: {  	_ =	swait.ge [sflag:s23], $0x1000  }
0x29d: {  	[sflag:s23] =	ssyncset.done $0x0  }
0x29e: {  	s1 =	smul.u32 $0x208, s25;
	[sflag:s23] =	ssyncadd.s32 $0xFFFFF000  }
0x29f: {  	s2 =	rddreg [dreg:$0x2]  }
.Ltmp4:
0x2a0: {  	s26 =	simm.s32 $0x5000;
	s1 =	sadd.s32 s2, s1;
	(pc) =	sbr.rel @p0 .LBB2_2-.Ltmp4, $4  }
0x2a1: {  	[hbm4b:s1+s3] =	stream.linear.scatter [tilespmem:s26], [sflag:$0x3], $0x10400, $0x38;
	[tilespmem:$0x15400] =	vst v63  }
0x2a2: {  	_ =	swait.ge [sflag:s24], $0x10400  }
0x2a3: {  	[sflag:s24] =	ssyncset.done $0x0  }
0x2a4: {  	p1 =	por $0x0, $0x0;
	s1 =	simm.s32 $0x10;
	[sflag:s24] =	ssyncadd.s32 $0xFFFEFC00  }
0x2a5: {  	s2 =	rddreg [dreg:$0x5]  }
0x2a6: {  	s1 =	rddreg [dreg:$0x4];
	s2 =	sadd.s32 $0x1, s2  }
0x2a7: {  	p0 =	sne.s32 s2, s1  }
.Ltmp5:
0x2a8: {  	_ = 	snop;
	(pc) =	sbr.rel @p0 .LBB2_1-.Ltmp5, $1  }
0x2a9: {  	_ =	sdelay $0x3  }
0x2aa: {  	_ =	sfence.sel $0x180000  }
0x2ab: {  	[bflag:$0x0] =	sbarrier.arrive $0xFFFF  }
0x2ac: {  	_ =	strace $0x90000047  }
0x2ad: {  	s0 =	stileid.u32;
	[bflag:$0x2] =	sbarrier.arrive $0xFFFF  }
0x2ae: {  	p0 =	sne.s32 s0, $0x0;
	s0 =	rddreg [dreg:$0x3]  }
0x2af: {  	s0 =	sadd.s32 @!p0 $0x100000, s0  }
0x2b0: {  	[sflag:s0] =	ssyncadd.tile.s32 @!p0 $0x1;
	_ =	shalt  }
.Lfunc_end2:
_tile_overlayer_lowered:
.L_overlay_start_2:
0x2b1: {  	(tag) =	ssettag $0x2  }
0x2b2: {  	s0 =	rddreg [dreg:$0x0];
	s2 =	stileid.u32  }
0x2b3: {  	s1 =	rddreg [dreg:$0x1];
	p0 =	sne.s32 s2, $0x0  }
0x2b4: {  	s3 =	rddreg [dreg:$0x2];
	[bflag:$0x3] =	sbarrier.arrive $0xFFFF;
	s2 =	simm.s32 @!p0 $0x1C03  }
0x2b5: {  	[timem:s3], [sflag:s2] =	dma.local @!p0 [hbm:s0], s1  }
0x2b6: {  	s0 =	simm.s32 @!p0 $0x3  }
0x2b7: {  	_ =	swait.ge @!p0 [sflag:s0], s1  }
0x2b8: {  	s1 =	ssub.s32 @!p0 $0x0, s1;
	[sflag:s0] =	ssyncset.done @!p0 $0x0  }
0x2b9: {  	[sflag:s0] =	ssyncadd.s32 @!p0 s1  }
0x2ba: {  	[bflag:$0x3] =	sbarrier.arrive $0xFFFF  }
0x2bb: {  	_ =	shalt  }

</sc_bundles>
